<compile_context>
chip_gen: v7x
topology: tpu7x:2x2x1
jax: 0.10.2.dev20260603
libtpu: 0.0.44.dev20260713+nightly
codegen_flags: <defaults>
</compile_context>

<pallas_src>
import jax
import jax.numpy as jnp
from jax import lax
from jax.experimental import pallas as pl
from jax.experimental.pallas import tpu as pltpu
from jax.experimental.pallas import tpu_sc as plsc

N_CAT = 32
EMB = 64
N_TOTAL = 3 * N_CAT
OUT_D = EMB + N_TOTAL

NC = 2
NS = 16
NW = NC * NS
LANES = 16

BQ = 128
BPL = 1024 // BQ


def _sc_body(v_hbm, r_hbm, s_hbm, p_hbm, t_hbm, out_hbm,
             T_v, r_a, s_a, p_a, v_a, o_a, r_b, s_b, p_b, v_b, o_b,
             in_sems, out_sems):
    cid = lax.axis_index("c")
    sid = lax.axis_index("s")
    wid = sid * NC + cid
    n_units = (r_hbm.shape[0] * BPL) // NW
    u0 = wid * n_units
    n2 = n_units // 2

    pltpu.sync_copy(t_hbm, T_v)

    bufs = ((r_a, s_a, p_a, v_a, o_a), (r_b, s_b, p_b, v_b, o_b))

    def in_copies(buf, u):
        rv, sv, pv, vv, _ = bufs[buf]
        ug = u0 + u
        l = ug // BPL
        c0 = (ug % BPL) * BQ
        sem = in_sems.at[buf]
        return (
            pltpu.make_async_copy(r_hbm.at[l, pl.ds(c0, BQ)], rv, sem),
            pltpu.make_async_copy(s_hbm.at[l, pl.ds(c0, BQ)], sv, sem),
            pltpu.make_async_copy(p_hbm.at[l, pl.ds(c0, BQ)], pv, sem),
            pltpu.make_async_copy(
                v_hbm.at[pl.ds(l * EMB, EMB), pl.ds(c0, BQ)], vv, sem),
        )

    def in_start(buf, u):
        for cp in in_copies(buf, u):
            cp.start()

    def in_wait(buf, u):
        for cp in in_copies(buf, u):
            cp.wait()

    def out_copy(buf, u):
        ov = bufs[buf][4]
        ug = u0 + u
        l = ug // BPL
        c0 = (ug % BPL) * BQ
        return pltpu.make_async_copy(
            ov, out_hbm.at[pl.ds(l * OUT_D, OUT_D), pl.ds(c0, BQ)],
            out_sems.at[buf])

    def compute(buf):
        rv, sv, pv, vv, ov = bufs[buf]

        @plsc.parallel_loop(0, BQ // LANES)
        def _(g):
            go = g * LANES
            r16 = rv[pl.ds(go, LANES)]
            s16 = sv[pl.ds(go, LANES)]
            p16 = pv[pl.ds(go, LANES)]
            sg = s16 + N_CAT
            pg = p16 + 2 * N_CAT

            @plsc.parallel_loop(0, EMB, unroll=4)
            def _(e):
                eb = e * N_TOTAL
                gr = plsc.load_gather(T_v, [r16 + eb])
                gs = plsc.load_gather(T_v, [sg + eb])
                gp = plsc.load_gather(T_v, [pg + eb])
                ov[e, pl.ds(go, LANES)] = \
                    vv[e, pl.ds(go, LANES)] * (gr + gs + gp)

            one = jnp.ones((LANES,), jnp.float32)
            zero = jnp.zeros((LANES,), jnp.float32)

            @plsc.parallel_loop(0, N_CAT, unroll=4)
            def _(c):
                ov[EMB + c, pl.ds(go, LANES)] = \
                    jnp.where(r16 == c, one, zero)
                ov[EMB + N_CAT + c, pl.ds(go, LANES)] = \
                    jnp.where(s16 == c, one, zero)
                ov[EMB + 2 * N_CAT + c, pl.ds(go, LANES)] = \
                    jnp.where(p16 == c, one, zero)

    in_start(0, 0)

    @pl.loop(0, n2)
    def _(i):
        c0 = 2 * i
        c1 = c0 + 1
        in_start(1, c1)
        in_wait(0, c0)

        @pl.when(i > 0)
        def _():
            out_copy(0, c0).wait()

        compute(0)
        out_copy(0, c0).start()

        @pl.when(c0 + 2 < n_units)
        def _():
            in_start(0, c0 + 2)

        in_wait(1, c1)

        @pl.when(i > 0)
        def _():
            out_copy(1, c1).wait()

        compute(1)
        out_copy(1, c1).start()

    if n_units % 2:
        u_last = n_units - 1
        in_wait(0, u_last)
        out_copy(0, u_last - 2).wait()
        compute(0)
        out_copy(0, u_last).start()
        out_copy(1, u_last - 1).wait()
        out_copy(0, u_last).wait()
    else:
        out_copy(0, n_units - 2).wait()
        out_copy(1, n_units - 1).wait()


@jax.jit
def _run(vT, rT, sT, pT, Tf):
    L, B = rT.shape
    mesh = plsc.VectorSubcoreMesh(core_axis_name="c", subcore_axis_name="s",
                                  num_cores=NC, num_subcores=NS)
    ibuf = [
        pltpu.VMEM((BQ,), jnp.int32),
        pltpu.VMEM((BQ,), jnp.int32),
        pltpu.VMEM((BQ,), jnp.int32),
        pltpu.VMEM((EMB, BQ), jnp.float32),
        pltpu.VMEM((OUT_D, BQ), jnp.float32),
    ]
    f = pl.kernel(
        _sc_body,
        out_type=jax.ShapeDtypeStruct((L * OUT_D, B), jnp.float32),
        mesh=mesh,
        compiler_params=pltpu.CompilerParams(needs_layout_passes=False),
        scratch_types=[pltpu.VMEM((EMB * N_TOTAL,), jnp.float32)]
        + ibuf + ibuf
        + [pltpu.SemaphoreType.DMA((2,)), pltpu.SemaphoreType.DMA((2,))],
    )
    return f(vT, rT, sT, pT, Tf)


def kernel(v_t, r_gap, s_gap, p_count, C_w):
    B, L, E = v_t.shape
    vT = jnp.transpose(v_t, (1, 2, 0)).reshape(L * E, B)
    rT = jnp.transpose(r_gap.astype(jnp.int32), (1, 0))
    sT = jnp.transpose(s_gap.astype(jnp.int32), (1, 0))
    pT = jnp.transpose(p_count.astype(jnp.int32), (1, 0))
    Tf = C_w.reshape(EMB * N_TOTAL)
    outT = _run(vT, rT, sT, pT, Tf)
    return jnp.transpose(outT.reshape(L, OUT_D, B), (2, 0, 1))

# --- scband reference (transcript-rebuilt; emitter-appended) ---
"""Pipeline reference for scband-integration-component-49022756716799 (READ-ONLY COPY).

The authoritative reference and input builder live on the scoring server;
editing this copy changes nothing except your own understanding.
"""

import jax, jax.numpy as jnp
import numpy as np

N_RGAP = 32
N_SGAP = 32
N_PCOUNT = 32
EMB_DIM = 64
N_TOTAL = N_RGAP + N_SGAP + N_PCOUNT
B = 1024
L = 200


def setup_inputs(seed: int = 0) -> dict:
    key = jax.random.key(seed)
    k1, k2, k3, k4, k5 = jax.random.split(key, 5)
    v_t = jax.random.normal(k1, (B, L, EMB_DIM), dtype=jnp.float32)
    r_gap = jax.random.randint(k2, (B, L), 0, N_RGAP, dtype=jnp.int64 if jax.config.jax_enable_x64 else jnp.int32)
    s_gap = jax.random.randint(k3, (B, L), 0, N_SGAP, dtype=jnp.int64 if jax.config.jax_enable_x64 else jnp.int32)
    p_count = jax.random.randint(k4, (B, L), 0, N_PCOUNT, dtype=jnp.int64 if jax.config.jax_enable_x64 else jnp.int32)
    # nn.Linear(n_total, emb_dim, bias=False): weight shape [emb_dim, n_total]
    bound = 1.0 / np.sqrt(N_TOTAL)
    C_w = jax.random.uniform(k5, (EMB_DIM, N_TOTAL), minval=-bound, maxval=bound, dtype=jnp.float32)
    return {"v_t": v_t, "r_gap": r_gap, "s_gap": s_gap, "p_count": p_count, "C_w": C_w}


def reference(v_t, r_gap, s_gap, p_count, C_w):
    rgap_eye = jnp.eye(N_RGAP, dtype=jnp.float32)
    sgap_eye = jnp.eye(N_SGAP, dtype=jnp.float32)
    pcount_eye = jnp.eye(N_PCOUNT, dtype=jnp.float32)
    # concat_multiply integration
    rgap = rgap_eye[r_gap]
    sgap = sgap_eye[s_gap]
    pcount = pcount_eye[p_count]
    c_t = jnp.concatenate((rgap, sgap, pcount), axis=-1)
    Cct = c_t @ C_w.T
    theta = v_t * Cct
    theta = jnp.concatenate((theta, c_t), axis=-1)
    return theta

if __name__ == "__main__":
    import jax
    _d = setup_inputs()
    print(jax.jit(kernel)(*tuple(_d.values())))

</pallas_src>

<mosaic_0001>
#map = affine_map<(d0, d1) -> (0, 0)>
#map1 = affine_map<(d0, d1) -> (0)>
module attributes {stable_mosaic.version = 14 : i64} {
  func.func @_sc_body(%arg0: i32, %arg1: i32, %arg2: memref<12800x1024xf32, #tpu.memory_space<hbm>>, %arg3: memref<200x1024xi32, #tpu.memory_space<hbm>>, %arg4: memref<200x1024xi32, #tpu.memory_space<hbm>>, %arg5: memref<200x1024xi32, #tpu.memory_space<hbm>>, %arg6: memref<6144xf32, #tpu.memory_space<hbm>>, %arg7: memref<32000x1024xf32, #tpu.memory_space<hbm>>, %arg8: memref<6144xf32, #tpu.memory_space<vmem>>, %arg9: memref<128xi32, #tpu.memory_space<vmem>>, %arg10: memref<128xi32, #tpu.memory_space<vmem>>, %arg11: memref<128xi32, #tpu.memory_space<vmem>>, %arg12: memref<64x128xf32, #tpu.memory_space<vmem>>, %arg13: memref<160x128xf32, #tpu.memory_space<vmem>>, %arg14: memref<128xi32, #tpu.memory_space<vmem>>, %arg15: memref<128xi32, #tpu.memory_space<vmem>>, %arg16: memref<128xi32, #tpu.memory_space<vmem>>, %arg17: memref<64x128xf32, #tpu.memory_space<vmem>>, %arg18: memref<160x128xf32, #tpu.memory_space<vmem>>, %arg19: memref<2x!tpu.dma_semaphore, #tpu.memory_space<semaphore_mem>>, %arg20: memref<2x!tpu.dma_semaphore, #tpu.memory_space<semaphore_mem>>) attributes {dimension_semantics = [#tpu.dimension_semantics<core_parallel>, #tpu.dimension_semantics<subcore_parallel>], iteration_bounds = array<i64: 2, 16>, scalar_prefetch = 0 : i64, scratch_operands = 13 : i64, tpu.core_type = #tpu.core_type<sc_vector_subcore>, window_params = [{transform_indices = #map}, {transform_indices = #map}, {transform_indices = #map}, {transform_indices = #map}, {transform_indices = #map1}, {transform_indices = #map}]} {
    %mul3A = arith.constant 2 : i32
    %mul3A_0 = arith.muli %arg1, %mul3A : i32
    %add3A = arith.addi %mul3A_0, %arg0 : i32
    %mul3A_1 = arith.constant 50 : i32
    %mul3A_2 = arith.muli %add3A, %mul3A_1 : i32
    "tpu.region"() ({
      %run_scoped3A = tpu.sem_alloc : memref<!tpu.dma_semaphore, #tpu.memory_space<semaphore_mem>>
      tpu.enqueue_dma source(%arg6 : memref<6144xf32, #tpu.memory_space<hbm>>) target(%arg8 : memref<6144xf32, #tpu.memory_space<vmem>>) target_semaphore(%run_scoped3A : memref<!tpu.dma_semaphore, #tpu.memory_space<semaphore_mem>>)
      tpu.wait_dma2 semaphore(%run_scoped3A : memref<!tpu.dma_semaphore, #tpu.memory_space<semaphore_mem>>) src(%arg6 : memref<6144xf32, #tpu.memory_space<hbm>>) dst(%arg8 : memref<6144xf32, #tpu.memory_space<vmem>>)
      tpu.yield
    }) : () -> ()
    %add3A_3 = arith.constant 0 : i32
    %add3A_4 = arith.addi %mul3A_2, %add3A_3 : i32
    %jit3A = arith.constant 8 : i32
    %div3A = arith.divsi %add3A_4, %jit3A : i32
    %sign3A = arith.constant 0 : i32
    %sign3A_5 = arith.cmpi sgt, %add3A_4, %sign3A : i32
    %sign3A_6 = arith.extui %sign3A_5 : i1 to i32
    %sign3A_7 = arith.constant 0 : i32
    %sign3A_8 = arith.cmpi slt, %add3A_4, %sign3A_7 : i32
    %sign3A_9 = arith.extui %sign3A_8 : i1 to i32
    %sign3A_10 = arith.subi %sign3A_6, %sign3A_9 : i32
    %sign3A_11 = arith.constant 0 : i32
    %sign3A_12 = arith.cmpi sgt, %jit3A, %sign3A_11 : i32
    %sign3A_13 = arith.extui %sign3A_12 : i1 to i32
    %sign3A_14 = arith.constant 0 : i32
    %sign3A_15 = arith.cmpi slt, %jit3A, %sign3A_14 : i32
    %sign3A_16 = arith.extui %sign3A_15 : i1 to i32
    %sign3A_17 = arith.subi %sign3A_13, %sign3A_16 : i32
    %ne3A = arith.cmpi ne, %sign3A_10, %sign3A_17 : i32
    %rem3A = arith.remsi %add3A_4, %jit3A : i32
    %ne3A_18 = arith.constant 0 : i32
    %ne3A_19 = arith.cmpi ne, %rem3A, %ne3A_18 : i32
    %and3A = arith.andi %ne3A, %ne3A_19 : i1
    %sub3A = arith.constant 1 : i32
    %sub3A_20 = arith.subi %div3A, %sub3A : i32
    %select_n3A = arith.select %and3A, %sub3A_20, %div3A : i32
    %jit3A_21 = arith.constant 8 : i32
    %eq3A = arith.constant 0 : i32
    %eq3A_22 = arith.cmpi eq, %jit3A_21, %eq3A : i32
    %jit3A_23 = arith.constant 1 : i32
    %select_n3A_24 = arith.select %eq3A_22, %jit3A_23, %jit3A_21 : i32
    %rem3A_25 = arith.remsi %add3A_4, %select_n3A_24 : i32
    %ne3A_26 = arith.constant 0 : i32
    %ne3A_27 = arith.cmpi ne, %rem3A_25, %ne3A_26 : i32
    %lt3A = arith.constant 0 : i32
    %lt3A_28 = arith.cmpi slt, %rem3A_25, %lt3A : i32
    %lt3A_29 = arith.constant 0 : i32
    %lt3A_30 = arith.cmpi slt, %select_n3A_24, %lt3A_29 : i32
    %ne3A_31 = arith.xori %lt3A_28, %lt3A_30 : i1
    %and3A_32 = arith.andi %ne3A_31, %ne3A_27 : i1
    %add3A_33 = arith.addi %rem3A_25, %select_n3A_24 : i32
    %select_n3A_34 = arith.select %and3A_32, %add3A_33, %rem3A_25 : i32
    %mul3A_35 = arith.constant 128 : i32
    %mul3A_36 = arith.muli %select_n3A_34, %mul3A_35 : i32
    %mul3A_37 = arith.constant 64 : i32
    %mul3A_38 = arith.muli %select_n3A, %mul3A_37 : i32
    %dma_start3A = arith.constant 0 : i32
    %dma_start3A_39 = tpu.memref_slice %arg3[%select_n3A, %mul3A_36] : memref<200x1024xi32, #tpu.memory_space<hbm>> -> memref<1x128xi32, #tpu.memory_space<hbm>>
    %dma_start3A_40 = tpu.memref_squeeze %dma_start3A_39 : memref<1x128xi32, #tpu.memory_space<hbm>> -> memref<128xi32, #tpu.memory_space<hbm>>
    %dma_start3A_41 = tpu.memref_slice %arg19[%dma_start3A] : memref<2x!tpu.dma_semaphore, #tpu.memory_space<semaphore_mem>> -> memref<1x!tpu.dma_semaphore, #tpu.memory_space<semaphore_mem>>
    %dma_start3A_42 = tpu.memref_squeeze %dma_start3A_41 : memref<1x!tpu.dma_semaphore, #tpu.memory_space<semaphore_mem>> -> memref<!tpu.dma_semaphore, #tpu.memory_space<semaphore_mem>>
    %dma_start3A_43 = tpu.memref_slice %arg3[%select_n3A, %mul3A_36] : memref<200x1024xi32, #tpu.memory_space<hbm>> -> memref<1x128xi32, #tpu.memory_space<hbm>>
    %dma_start3A_44 = tpu.memref_squeeze %dma_start3A_43 : memref<1x128xi32, #tpu.memory_space<hbm>> -> memref<128xi32, #tpu.memory_space<hbm>>
    tpu.enqueue_dma source(%dma_start3A_44 : memref<128xi32, #tpu.memory_space<hbm>>) target(%arg9 : memref<128xi32, #tpu.memory_space<vmem>>) target_semaphore(%dma_start3A_42 : memref<!tpu.dma_semaphore, #tpu.memory_space<semaphore_mem>>)
    %dma_start3A_45 = arith.constant 0 : i32
    %dma_start3A_46 = tpu.memref_slice %arg4[%select_n3A, %mul3A_36] : memref<200x1024xi32, #tpu.memory_space<hbm>> -> memref<1x128xi32, #tpu.memory_space<hbm>>
    %dma_start3A_47 = tpu.memref_squeeze %dma_start3A_46 : memref<1x128xi32, #tpu.memory_space<hbm>> -> memref<128xi32, #tpu.memory_space<hbm>>
    %dma_start3A_48 = tpu.memref_slice %arg19[%dma_start3A_45] : memref<2x!tpu.dma_semaphore, #tpu.memory_space<semaphore_mem>> -> memref<1x!tpu.dma_semaphore, #tpu.memory_space<semaphore_mem>>
    %dma_start3A_49 = tpu.memref_squeeze %dma_start3A_48 : memref<1x!tpu.dma_semaphore, #tpu.memory_space<semaphore_mem>> -> memref<!tpu.dma_semaphore, #tpu.memory_space<semaphore_mem>>
    %dma_start3A_50 = tpu.memref_slice %arg4[%select_n3A, %mul3A_36] : memref<200x1024xi32, #tpu.memory_space<hbm>> -> memref<1x128xi32, #tpu.memory_space<hbm>>
    %dma_start3A_51 = tpu.memref_squeeze %dma_start3A_50 : memref<1x128xi32, #tpu.memory_space<hbm>> -> memref<128xi32, #tpu.memory_space<hbm>>
    tpu.enqueue_dma source(%dma_start3A_51 : memref<128xi32, #tpu.memory_space<hbm>>) target(%arg10 : memref<128xi32, #tpu.memory_space<vmem>>) target_semaphore(%dma_start3A_49 : memref<!tpu.dma_semaphore, #tpu.memory_space<semaphore_mem>>)
    %dma_start3A_52 = arith.constant 0 : i32
    %dma_start3A_53 = tpu.memref_slice %arg5[%select_n3A, %mul3A_36] : memref<200x1024xi32, #tpu.memory_space<hbm>> -> memref<1x128xi32, #tpu.memory_space<hbm>>
    %dma_start3A_54 = tpu.memref_squeeze %dma_start3A_53 : memref<1x128xi32, #tpu.memory_space<hbm>> -> memref<128xi32, #tpu.memory_space<hbm>>
    %dma_start3A_55 = tpu.memref_slice %arg19[%dma_start3A_52] : memref<2x!tpu.dma_semaphore, #tpu.memory_space<semaphore_mem>> -> memref<1x!tpu.dma_semaphore, #tpu.memory_space<semaphore_mem>>
    %dma_start3A_56 = tpu.memref_squeeze %dma_start3A_55 : memref<1x!tpu.dma_semaphore, #tpu.memory_space<semaphore_mem>> -> memref<!tpu.dma_semaphore, #tpu.memory_space<semaphore_mem>>
    %dma_start3A_57 = tpu.memref_slice %arg5[%select_n3A, %mul3A_36] : memref<200x1024xi32, #tpu.memory_space<hbm>> -> memref<1x128xi32, #tpu.memory_space<hbm>>
    %dma_start3A_58 = tpu.memref_squeeze %dma_start3A_57 : memref<1x128xi32, #tpu.memory_space<hbm>> -> memref<128xi32, #tpu.memory_space<hbm>>
    tpu.enqueue_dma source(%dma_start3A_58 : memref<128xi32, #tpu.memory_space<hbm>>) target(%arg11 : memref<128xi32, #tpu.memory_space<vmem>>) target_semaphore(%dma_start3A_56 : memref<!tpu.dma_semaphore, #tpu.memory_space<semaphore_mem>>)
    %dma_start3A_59 = arith.constant 0 : i32
    %dma_start3A_60 = tpu.memref_slice %arg2[%mul3A_38, %mul3A_36] : memref<12800x1024xf32, #tpu.memory_space<hbm>> -> memref<64x128xf32, #tpu.memory_space<hbm>>
    %dma_start3A_61 = tpu.memref_slice %arg19[%dma_start3A_59] : memref<2x!tpu.dma_semaphore, #tpu.memory_space<semaphore_mem>> -> memref<1x!tpu.dma_semaphore, #tpu.memory_space<semaphore_mem>>
    %dma_start3A_62 = tpu.memref_squeeze %dma_start3A_61 : memref<1x!tpu.dma_semaphore, #tpu.memory_space<semaphore_mem>> -> memref<!tpu.dma_semaphore, #tpu.memory_space<semaphore_mem>>
    %dma_start3A_63 = tpu.memref_slice %arg2[%mul3A_38, %mul3A_36] : memref<12800x1024xf32, #tpu.memory_space<hbm>> -> memref<64x128xf32, #tpu.memory_space<hbm>>
    tpu.enqueue_dma source(%dma_start3A_63 : memref<64x128xf32, #tpu.memory_space<hbm>>) target(%arg12 : memref<64x128xf32, #tpu.memory_space<vmem>>) target_semaphore(%dma_start3A_62 : memref<!tpu.dma_semaphore, #tpu.memory_space<semaphore_mem>>)
    %scan3A = arith.constant 0 : i32
    %scan3A_64 = arith.constant 25 : i32
    %scan3A_65 = arith.addi %scan3A, %scan3A_64 : i32
    %scan3A_66 = arith.constant 1 : i32
    scf.for %scan3A_169 = %scan3A to %scan3A_65 step %scan3A_66  : i32 {
      %mul3A_170 = arith.constant 1 : i32
      %mul3A_171 = arith.muli %scan3A_169, %mul3A_170 : i32
      %add3A_172 = arith.constant 0 : i32
      %add3A_173 = arith.addi %add3A_172, %mul3A_171 : i32
      %mul3A_174 = arith.constant 2 : i32
      %mul3A_175 = arith.muli %mul3A_174, %add3A_173 : i32
      %add3A_176 = arith.constant 1 : i32
      %add3A_177 = arith.addi %mul3A_175, %add3A_176 : i32
      %add3A_178 = arith.addi %mul3A_2, %add3A_177 : i32
      %jit3A_179 = arith.constant 8 : i32
      %div3A_180 = arith.divsi %add3A_178, %jit3A_179 : i32
      %sign3A_181 = arith.constant 0 : i32
      %sign3A_182 = arith.cmpi sgt, %add3A_178, %sign3A_181 : i32
      %sign3A_183 = arith.extui %sign3A_182 : i1 to i32
      %sign3A_184 = arith.constant 0 : i32
      %sign3A_185 = arith.cmpi slt, %add3A_178, %sign3A_184 : i32
      %sign3A_186 = arith.extui %sign3A_185 : i1 to i32
      %sign3A_187 = arith.subi %sign3A_183, %sign3A_186 : i32
      %sign3A_188 = arith.constant 0 : i32
      %sign3A_189 = arith.cmpi sgt, %jit3A_179, %sign3A_188 : i32
      %sign3A_190 = arith.extui %sign3A_189 : i1 to i32
      %sign3A_191 = arith.constant 0 : i32
      %sign3A_192 = arith.cmpi slt, %jit3A_179, %sign3A_191 : i32
      %sign3A_193 = arith.extui %sign3A_192 : i1 to i32
      %sign3A_194 = arith.subi %sign3A_190, %sign3A_193 : i32
      %ne3A_195 = arith.cmpi ne, %sign3A_187, %sign3A_194 : i32
      %rem3A_196 = arith.remsi %add3A_178, %jit3A_179 : i32
      %ne3A_197 = arith.constant 0 : i32
      %ne3A_198 = arith.cmpi ne, %rem3A_196, %ne3A_197 : i32
      %and3A_199 = arith.andi %ne3A_195, %ne3A_198 : i1
      %sub3A_200 = arith.constant 1 : i32
      %sub3A_201 = arith.subi %div3A_180, %sub3A_200 : i32
      %select_n3A_202 = arith.select %and3A_199, %sub3A_201, %div3A_180 : i32
      %jit3A_203 = arith.constant 8 : i32
      %eq3A_204 = arith.constant 0 : i32
      %eq3A_205 = arith.cmpi eq, %jit3A_203, %eq3A_204 : i32
      %jit3A_206 = arith.constant 1 : i32
      %select_n3A_207 = arith.select %eq3A_205, %jit3A_206, %jit3A_203 : i32
      %rem3A_208 = arith.remsi %add3A_178, %select_n3A_207 : i32
      %ne3A_209 = arith.constant 0 : i32
      %ne3A_210 = arith.cmpi ne, %rem3A_208, %ne3A_209 : i32
      %lt3A_211 = arith.constant 0 : i32
      %lt3A_212 = arith.cmpi slt, %rem3A_208, %lt3A_211 : i32
      %lt3A_213 = arith.constant 0 : i32
      %lt3A_214 = arith.cmpi slt, %select_n3A_207, %lt3A_213 : i32
      %ne3A_215 = arith.xori %lt3A_212, %lt3A_214 : i1
      %and3A_216 = arith.andi %ne3A_215, %ne3A_210 : i1
      %add3A_217 = arith.addi %rem3A_208, %select_n3A_207 : i32
      %select_n3A_218 = arith.select %and3A_216, %add3A_217, %rem3A_208 : i32
      %mul3A_219 = arith.constant 128 : i32
      %mul3A_220 = arith.muli %select_n3A_218, %mul3A_219 : i32
      %mul3A_221 = arith.constant 64 : i32
      %mul3A_222 = arith.muli %select_n3A_202, %mul3A_221 : i32
      %dma_start3A_223 = arith.constant 1 : i32
      %dma_start3A_224 = tpu.memref_slice %arg3[%select_n3A_202, %mul3A_220] : memref<200x1024xi32, #tpu.memory_space<hbm>> -> memref<1x128xi32, #tpu.memory_space<hbm>>
      %dma_start3A_225 = tpu.memref_squeeze %dma_start3A_224 : memref<1x128xi32, #tpu.memory_space<hbm>> -> memref<128xi32, #tpu.memory_space<hbm>>
      %dma_start3A_226 = tpu.memref_slice %arg19[%dma_start3A_223] : memref<2x!tpu.dma_semaphore, #tpu.memory_space<semaphore_mem>> -> memref<1x!tpu.dma_semaphore, #tpu.memory_space<semaphore_mem>>
      %dma_start3A_227 = tpu.memref_squeeze %dma_start3A_226 : memref<1x!tpu.dma_semaphore, #tpu.memory_space<semaphore_mem>> -> memref<!tpu.dma_semaphore, #tpu.memory_space<semaphore_mem>>
      %dma_start3A_228 = tpu.memref_slice %arg3[%select_n3A_202, %mul3A_220] : memref<200x1024xi32, #tpu.memory_space<hbm>> -> memref<1x128xi32, #tpu.memory_space<hbm>>
      %dma_start3A_229 = tpu.memref_squeeze %dma_start3A_228 : memref<1x128xi32, #tpu.memory_space<hbm>> -> memref<128xi32, #tpu.memory_space<hbm>>
      tpu.enqueue_dma source(%dma_start3A_229 : memref<128xi32, #tpu.memory_space<hbm>>) target(%arg14 : memref<128xi32, #tpu.memory_space<vmem>>) target_semaphore(%dma_start3A_227 : memref<!tpu.dma_semaphore, #tpu.memory_space<semaphore_mem>>)
      %dma_start3A_230 = arith.constant 1 : i32
      %dma_start3A_231 = tpu.memref_slice %arg4[%select_n3A_202, %mul3A_220] : memref<200x1024xi32, #tpu.memory_space<hbm>> -> memref<1x128xi32, #tpu.memory_space<hbm>>
      %dma_start3A_232 = tpu.memref_squeeze %dma_start3A_231 : memref<1x128xi32, #tpu.memory_space<hbm>> -> memref<128xi32, #tpu.memory_space<hbm>>
      %dma_start3A_233 = tpu.memref_slice %arg19[%dma_start3A_230] : memref<2x!tpu.dma_semaphore, #tpu.memory_space<semaphore_mem>> -> memref<1x!tpu.dma_semaphore, #tpu.memory_space<semaphore_mem>>
      %dma_start3A_234 = tpu.memref_squeeze %dma_start3A_233 : memref<1x!tpu.dma_semaphore, #tpu.memory_space<semaphore_mem>> -> memref<!tpu.dma_semaphore, #tpu.memory_space<semaphore_mem>>
      %dma_start3A_235 = tpu.memref_slice %arg4[%select_n3A_202, %mul3A_220] : memref<200x1024xi32, #tpu.memory_space<hbm>> -> memref<1x128xi32, #tpu.memory_space<hbm>>
      %dma_start3A_236 = tpu.memref_squeeze %dma_start3A_235 : memref<1x128xi32, #tpu.memory_space<hbm>> -> memref<128xi32, #tpu.memory_space<hbm>>
      tpu.enqueue_dma source(%dma_start3A_236 : memref<128xi32, #tpu.memory_space<hbm>>) target(%arg15 : memref<128xi32, #tpu.memory_space<vmem>>) target_semaphore(%dma_start3A_234 : memref<!tpu.dma_semaphore, #tpu.memory_space<semaphore_mem>>)
      %dma_start3A_237 = arith.constant 1 : i32
      %dma_start3A_238 = tpu.memref_slice %arg5[%select_n3A_202, %mul3A_220] : memref<200x1024xi32, #tpu.memory_space<hbm>> -> memref<1x128xi32, #tpu.memory_space<hbm>>
      %dma_start3A_239 = tpu.memref_squeeze %dma_start3A_238 : memref<1x128xi32, #tpu.memory_space<hbm>> -> memref<128xi32, #tpu.memory_space<hbm>>
      %dma_start3A_240 = tpu.memref_slice %arg19[%dma_start3A_237] : memref<2x!tpu.dma_semaphore, #tpu.memory_space<semaphore_mem>> -> memref<1x!tpu.dma_semaphore, #tpu.memory_space<semaphore_mem>>
      %dma_start3A_241 = tpu.memref_squeeze %dma_start3A_240 : memref<1x!tpu.dma_semaphore, #tpu.memory_space<semaphore_mem>> -> memref<!tpu.dma_semaphore, #tpu.memory_space<semaphore_mem>>
      %dma_start3A_242 = tpu.memref_slice %arg5[%select_n3A_202, %mul3A_220] : memref<200x1024xi32, #tpu.memory_space<hbm>> -> memref<1x128xi32, #tpu.memory_space<hbm>>
      %dma_start3A_243 = tpu.memref_squeeze %dma_start3A_242 : memref<1x128xi32, #tpu.memory_space<hbm>> -> memref<128xi32, #tpu.memory_space<hbm>>
      tpu.enqueue_dma source(%dma_start3A_243 : memref<128xi32, #tpu.memory_space<hbm>>) target(%arg16 : memref<128xi32, #tpu.memory_space<vmem>>) target_semaphore(%dma_start3A_241 : memref<!tpu.dma_semaphore, #tpu.memory_space<semaphore_mem>>)
      %dma_start3A_244 = arith.constant 1 : i32
      %dma_start3A_245 = tpu.memref_slice %arg2[%mul3A_222, %mul3A_220] : memref<12800x1024xf32, #tpu.memory_space<hbm>> -> memref<64x128xf32, #tpu.memory_space<hbm>>
      %dma_start3A_246 = tpu.memref_slice %arg19[%dma_start3A_244] : memref<2x!tpu.dma_semaphore, #tpu.memory_space<semaphore_mem>> -> memref<1x!tpu.dma_semaphore, #tpu.memory_space<semaphore_mem>>
      %dma_start3A_247 = tpu.memref_squeeze %dma_start3A_246 : memref<1x!tpu.dma_semaphore, #tpu.memory_space<semaphore_mem>> -> memref<!tpu.dma_semaphore, #tpu.memory_space<semaphore_mem>>
      %dma_start3A_248 = tpu.memref_slice %arg2[%mul3A_222, %mul3A_220] : memref<12800x1024xf32, #tpu.memory_space<hbm>> -> memref<64x128xf32, #tpu.memory_space<hbm>>
      tpu.enqueue_dma source(%dma_start3A_248 : memref<64x128xf32, #tpu.memory_space<hbm>>) target(%arg17 : memref<64x128xf32, #tpu.memory_space<vmem>>) target_semaphore(%dma_start3A_247 : memref<!tpu.dma_semaphore, #tpu.memory_space<semaphore_mem>>)
      %add3A_249 = arith.addi %mul3A_2, %mul3A_175 : i32
      %jit3A_250 = arith.constant 8 : i32
      %div3A_251 = arith.divsi %add3A_249, %jit3A_250 : i32
      %sign3A_252 = arith.constant 0 : i32
      %sign3A_253 = arith.cmpi sgt, %add3A_249, %sign3A_252 : i32
      %sign3A_254 = arith.extui %sign3A_253 : i1 to i32
      %sign3A_255 = arith.constant 0 : i32
      %sign3A_256 = arith.cmpi slt, %add3A_249, %sign3A_255 : i32
      %sign3A_257 = arith.extui %sign3A_256 : i1 to i32
      %sign3A_258 = arith.subi %sign3A_254, %sign3A_257 : i32
      %sign3A_259 = arith.constant 0 : i32
      %sign3A_260 = arith.cmpi sgt, %jit3A_250, %sign3A_259 : i32
      %sign3A_261 = arith.extui %sign3A_260 : i1 to i32
      %sign3A_262 = arith.constant 0 : i32
      %sign3A_263 = arith.cmpi slt, %jit3A_250, %sign3A_262 : i32
      %sign3A_264 = arith.extui %sign3A_263 : i1 to i32
      %sign3A_265 = arith.subi %sign3A_261, %sign3A_264 : i32
      %ne3A_266 = arith.cmpi ne, %sign3A_258, %sign3A_265 : i32
      %rem3A_267 = arith.remsi %add3A_249, %jit3A_250 : i32
      %ne3A_268 = arith.constant 0 : i32
      %ne3A_269 = arith.cmpi ne, %rem3A_267, %ne3A_268 : i32
      %and3A_270 = arith.andi %ne3A_266, %ne3A_269 : i1
      %sub3A_271 = arith.constant 1 : i32
      %sub3A_272 = arith.subi %div3A_251, %sub3A_271 : i32
      %select_n3A_273 = arith.select %and3A_270, %sub3A_272, %div3A_251 : i32
      %jit3A_274 = arith.constant 8 : i32
      %eq3A_275 = arith.constant 0 : i32
      %eq3A_276 = arith.cmpi eq, %jit3A_274, %eq3A_275 : i32
      %jit3A_277 = arith.constant 1 : i32
      %select_n3A_278 = arith.select %eq3A_276, %jit3A_277, %jit3A_274 : i32
      %rem3A_279 = arith.remsi %add3A_249, %select_n3A_278 : i32
      %ne3A_280 = arith.constant 0 : i32
      %ne3A_281 = arith.cmpi ne, %rem3A_279, %ne3A_280 : i32
      %lt3A_282 = arith.constant 0 : i32
      %lt3A_283 = arith.cmpi slt, %rem3A_279, %lt3A_282 : i32
      %lt3A_284 = arith.constant 0 : i32
      %lt3A_285 = arith.cmpi slt, %select_n3A_278, %lt3A_284 : i32
      %ne3A_286 = arith.xori %lt3A_283, %lt3A_285 : i1
      %and3A_287 = arith.andi %ne3A_286, %ne3A_281 : i1
      %add3A_288 = arith.addi %rem3A_279, %select_n3A_278 : i32
      %select_n3A_289 = arith.select %and3A_287, %add3A_288, %rem3A_279 : i32
      %mul3A_290 = arith.constant 128 : i32
      %mul3A_291 = arith.muli %select_n3A_289, %mul3A_290 : i32
      %mul3A_292 = arith.constant 64 : i32
      %mul3A_293 = arith.muli %select_n3A_273, %mul3A_292 : i32
      %dma_wait3A_294 = arith.constant 0 : i32
      %dma_wait3A_295 = tpu.memref_slice %arg3[%select_n3A_273, %mul3A_291] : memref<200x1024xi32, #tpu.memory_space<hbm>> -> memref<1x128xi32, #tpu.memory_space<hbm>>
      %dma_wait3A_296 = tpu.memref_squeeze %dma_wait3A_295 : memref<1x128xi32, #tpu.memory_space<hbm>> -> memref<128xi32, #tpu.memory_space<hbm>>
      %dma_wait3A_297 = tpu.memref_slice %arg19[%dma_wait3A_294] : memref<2x!tpu.dma_semaphore, #tpu.memory_space<semaphore_mem>> -> memref<1x!tpu.dma_semaphore, #tpu.memory_space<semaphore_mem>>
      %dma_wait3A_298 = tpu.memref_squeeze %dma_wait3A_297 : memref<1x!tpu.dma_semaphore, #tpu.memory_space<semaphore_mem>> -> memref<!tpu.dma_semaphore, #tpu.memory_space<semaphore_mem>>
      %dma_wait3A_299 = tpu.memref_slice %arg3[%select_n3A_273, %mul3A_291] : memref<200x1024xi32, #tpu.memory_space<hbm>> -> memref<1x128xi32, #tpu.memory_space<hbm>>
      %dma_wait3A_300 = tpu.memref_squeeze %dma_wait3A_299 : memref<1x128xi32, #tpu.memory_space<hbm>> -> memref<128xi32, #tpu.memory_space<hbm>>
      tpu.wait_dma2 semaphore(%dma_wait3A_298 : memref<!tpu.dma_semaphore, #tpu.memory_space<semaphore_mem>>) src(%dma_wait3A_300 : memref<128xi32, #tpu.memory_space<hbm>>) dst(%arg9 : memref<128xi32, #tpu.memory_space<vmem>>)
      %dma_wait3A_301 = arith.constant 0 : i32
      %dma_wait3A_302 = tpu.memref_slice %arg4[%select_n3A_273, %mul3A_291] : memref<200x1024xi32, #tpu.memory_space<hbm>> -> memref<1x128xi32, #tpu.memory_space<hbm>>
      %dma_wait3A_303 = tpu.memref_squeeze %dma_wait3A_302 : memref<1x128xi32, #tpu.memory_space<hbm>> -> memref<128xi32, #tpu.memory_space<hbm>>
      %dma_wait3A_304 = tpu.memref_slice %arg19[%dma_wait3A_301] : memref<2x!tpu.dma_semaphore, #tpu.memory_space<semaphore_mem>> -> memref<1x!tpu.dma_semaphore, #tpu.memory_space<semaphore_mem>>
      %dma_wait3A_305 = tpu.memref_squeeze %dma_wait3A_304 : memref<1x!tpu.dma_semaphore, #tpu.memory_space<semaphore_mem>> -> memref<!tpu.dma_semaphore, #tpu.memory_space<semaphore_mem>>
      %dma_wait3A_306 = tpu.memref_slice %arg4[%select_n3A_273, %mul3A_291] : memref<200x1024xi32, #tpu.memory_space<hbm>> -> memref<1x128xi32, #tpu.memory_space<hbm>>
      %dma_wait3A_307 = tpu.memref_squeeze %dma_wait3A_306 : memref<1x128xi32, #tpu.memory_space<hbm>> -> memref<128xi32, #tpu.memory_space<hbm>>
      tpu.wait_dma2 semaphore(%dma_wait3A_305 : memref<!tpu.dma_semaphore, #tpu.memory_space<semaphore_mem>>) src(%dma_wait3A_307 : memref<128xi32, #tpu.memory_space<hbm>>) dst(%arg10 : memref<128xi32, #tpu.memory_space<vmem>>)
      %dma_wait3A_308 = arith.constant 0 : i32
      %dma_wait3A_309 = tpu.memref_slice %arg5[%select_n3A_273, %mul3A_291] : memref<200x1024xi32, #tpu.memory_space<hbm>> -> memref<1x128xi32, #tpu.memory_space<hbm>>
      %dma_wait3A_310 = tpu.memref_squeeze %dma_wait3A_309 : memref<1x128xi32, #tpu.memory_space<hbm>> -> memref<128xi32, #tpu.memory_space<hbm>>
      %dma_wait3A_311 = tpu.memref_slice %arg19[%dma_wait3A_308] : memref<2x!tpu.dma_semaphore, #tpu.memory_space<semaphore_mem>> -> memref<1x!tpu.dma_semaphore, #tpu.memory_space<semaphore_mem>>
      %dma_wait3A_312 = tpu.memref_squeeze %dma_wait3A_311 : memref<1x!tpu.dma_semaphore, #tpu.memory_space<semaphore_mem>> -> memref<!tpu.dma_semaphore, #tpu.memory_space<semaphore_mem>>
      %dma_wait3A_313 = tpu.memref_slice %arg5[%select_n3A_273, %mul3A_291] : memref<200x1024xi32, #tpu.memory_space<hbm>> -> memref<1x128xi32, #tpu.memory_space<hbm>>
      %dma_wait3A_314 = tpu.memref_squeeze %dma_wait3A_313 : memref<1x128xi32, #tpu.memory_space<hbm>> -> memref<128xi32, #tpu.memory_space<hbm>>
      tpu.wait_dma2 semaphore(%dma_wait3A_312 : memref<!tpu.dma_semaphore, #tpu.memory_space<semaphore_mem>>) src(%dma_wait3A_314 : memref<128xi32, #tpu.memory_space<hbm>>) dst(%arg11 : memref<128xi32, #tpu.memory_space<vmem>>)
      %dma_wait3A_315 = arith.constant 0 : i32
      %dma_wait3A_316 = tpu.memref_slice %arg2[%mul3A_293, %mul3A_291] : memref<12800x1024xf32, #tpu.memory_space<hbm>> -> memref<64x128xf32, #tpu.memory_space<hbm>>
      %dma_wait3A_317 = tpu.memref_slice %arg19[%dma_wait3A_315] : memref<2x!tpu.dma_semaphore, #tpu.memory_space<semaphore_mem>> -> memref<1x!tpu.dma_semaphore, #tpu.memory_space<semaphore_mem>>
      %dma_wait3A_318 = tpu.memref_squeeze %dma_wait3A_317 : memref<1x!tpu.dma_semaphore, #tpu.memory_space<semaphore_mem>> -> memref<!tpu.dma_semaphore, #tpu.memory_space<semaphore_mem>>
      %dma_wait3A_319 = tpu.memref_slice %arg2[%mul3A_293, %mul3A_291] : memref<12800x1024xf32, #tpu.memory_space<hbm>> -> memref<64x128xf32, #tpu.memory_space<hbm>>
      tpu.wait_dma2 semaphore(%dma_wait3A_318 : memref<!tpu.dma_semaphore, #tpu.memory_space<semaphore_mem>>) src(%dma_wait3A_319 : memref<64x128xf32, #tpu.memory_space<hbm>>) dst(%arg12 : memref<64x128xf32, #tpu.memory_space<vmem>>)
      %gt3A = arith.constant 0 : i32
      %gt3A_320 = arith.cmpi sgt, %add3A_173, %gt3A : i32
      %convert_element_type3A = arith.extui %gt3A_320 : i1 to i32
      %cond3A = arith.constant 0 : i32
      %cond3A_321 = arith.cmpi ne, %convert_element_type3A, %cond3A : i32
      scf.if %cond3A_321 {
        %add3A_510 = arith.addi %mul3A_2, %mul3A_175 : i32
        %jit3A_511 = arith.constant 8 : i32
        %div3A_512 = arith.divsi %add3A_510, %jit3A_511 : i32
        %sign3A_513 = arith.constant 0 : i32
        %sign3A_514 = arith.cmpi sgt, %add3A_510, %sign3A_513 : i32
        %sign3A_515 = arith.extui %sign3A_514 : i1 to i32
        %sign3A_516 = arith.constant 0 : i32
        %sign3A_517 = arith.cmpi slt, %add3A_510, %sign3A_516 : i32
        %sign3A_518 = arith.extui %sign3A_517 : i1 to i32
        %sign3A_519 = arith.subi %sign3A_515, %sign3A_518 : i32
        %sign3A_520 = arith.constant 0 : i32
        %sign3A_521 = arith.cmpi sgt, %jit3A_511, %sign3A_520 : i32
        %sign3A_522 = arith.extui %sign3A_521 : i1 to i32
        %sign3A_523 = arith.constant 0 : i32
        %sign3A_524 = arith.cmpi slt, %jit3A_511, %sign3A_523 : i32
        %sign3A_525 = arith.extui %sign3A_524 : i1 to i32
        %sign3A_526 = arith.subi %sign3A_522, %sign3A_525 : i32
        %ne3A_527 = arith.cmpi ne, %sign3A_519, %sign3A_526 : i32
        %rem3A_528 = arith.remsi %add3A_510, %jit3A_511 : i32
        %ne3A_529 = arith.constant 0 : i32
        %ne3A_530 = arith.cmpi ne, %rem3A_528, %ne3A_529 : i32
        %and3A_531 = arith.andi %ne3A_527, %ne3A_530 : i1
        %sub3A_532 = arith.constant 1 : i32
        %sub3A_533 = arith.subi %div3A_512, %sub3A_532 : i32
        %select_n3A_534 = arith.select %and3A_531, %sub3A_533, %div3A_512 : i32
        %jit3A_535 = arith.constant 8 : i32
        %eq3A_536 = arith.constant 0 : i32
        %eq3A_537 = arith.cmpi eq, %jit3A_535, %eq3A_536 : i32
        %jit3A_538 = arith.constant 1 : i32
        %select_n3A_539 = arith.select %eq3A_537, %jit3A_538, %jit3A_535 : i32
        %rem3A_540 = arith.remsi %add3A_510, %select_n3A_539 : i32
        %ne3A_541 = arith.constant 0 : i32
        %ne3A_542 = arith.cmpi ne, %rem3A_540, %ne3A_541 : i32
        %lt3A_543 = arith.constant 0 : i32
        %lt3A_544 = arith.cmpi slt, %rem3A_540, %lt3A_543 : i32
        %lt3A_545 = arith.constant 0 : i32
        %lt3A_546 = arith.cmpi slt, %select_n3A_539, %lt3A_545 : i32
        %ne3A_547 = arith.xori %lt3A_544, %lt3A_546 : i1
        %and3A_548 = arith.andi %ne3A_547, %ne3A_542 : i1
        %add3A_549 = arith.addi %rem3A_540, %select_n3A_539 : i32
        %select_n3A_550 = arith.select %and3A_548, %add3A_549, %rem3A_540 : i32
        %mul3A_551 = arith.constant 128 : i32
        %mul3A_552 = arith.muli %select_n3A_550, %mul3A_551 : i32
        %mul3A_553 = arith.constant 160 : i32
        %mul3A_554 = arith.muli %select_n3A_534, %mul3A_553 : i32
        %dma_wait3A_555 = arith.constant 0 : i32
        %dma_wait3A_556 = tpu.memref_slice %arg7[%mul3A_554, %mul3A_552] : memref<32000x1024xf32, #tpu.memory_space<hbm>> -> memref<160x128xf32, #tpu.memory_space<hbm>>
        %dma_wait3A_557 = tpu.memref_slice %arg20[%dma_wait3A_555] : memref<2x!tpu.dma_semaphore, #tpu.memory_space<semaphore_mem>> -> memref<1x!tpu.dma_semaphore, #tpu.memory_space<semaphore_mem>>
        %dma_wait3A_558 = tpu.memref_squeeze %dma_wait3A_557 : memref<1x!tpu.dma_semaphore, #tpu.memory_space<semaphore_mem>> -> memref<!tpu.dma_semaphore, #tpu.memory_space<semaphore_mem>>
        %dma_wait3A_559 = tpu.memref_slice %arg7[%mul3A_554, %mul3A_552] : memref<32000x1024xf32, #tpu.memory_space<hbm>> -> memref<160x128xf32, #tpu.memory_space<hbm>>
        tpu.wait_dma2 semaphore(%dma_wait3A_558 : memref<!tpu.dma_semaphore, #tpu.memory_space<semaphore_mem>>) src(%arg13 : memref<160x128xf32, #tpu.memory_space<vmem>>) dst(%dma_wait3A_559 : memref<160x128xf32, #tpu.memory_space<hbm>>)
      } else {
      }
      %parallel_loop3A = arith.constant 0 : i32
      %parallel_loop3A_322 = arith.constant 8 : i32
      %parallel_loop3A_323 = arith.constant 1 : i32
      scf.for %parallel_loop3A_510 = %parallel_loop3A to %parallel_loop3A_322 step %parallel_loop3A_323  : i32 {
        %parallel_loop3A_511 = arith.constant 16 : i32
        %parallel_loop3A_512 = arith.muli %parallel_loop3A_510, %parallel_loop3A_511 : i32
        %parallel_loop3A_513 = arith.index_cast %parallel_loop3A_512 : i32 to index
        %parallel_loop3A_514 = tpu.vector_load %arg9[%parallel_loop3A_513] {strides = array<i32>} : memref<128xi32, #tpu.memory_space<vmem>>, vector<16xi32>,
        %parallel_loop3A_515 = arith.index_cast %parallel_loop3A_512 : i32 to index
        %parallel_loop3A_516 = tpu.vector_load %arg10[%parallel_loop3A_515] {strides = array<i32>} : memref<128xi32, #tpu.memory_space<vmem>>, vector<16xi32>,
        %parallel_loop3A_517 = arith.index_cast %parallel_loop3A_512 : i32 to index
        %parallel_loop3A_518 = tpu.vector_load %arg11[%parallel_loop3A_517] {strides = array<i32>} : memref<128xi32, #tpu.memory_space<vmem>>, vector<16xi32>,
        %parallel_loop3A_519 = arith.constant 32 : i32
        %parallel_loop3A_520 = vector.broadcast %parallel_loop3A_519 : i32 to vector<16xi32>
        %parallel_loop3A_521 = arith.addi %parallel_loop3A_516, %parallel_loop3A_520 : vector<16xi32>
        %parallel_loop3A_522 = arith.constant 64 : i32
        %parallel_loop3A_523 = vector.broadcast %parallel_loop3A_522 : i32 to vector<16xi32>
        %parallel_loop3A_524 = arith.addi %parallel_loop3A_518, %parallel_loop3A_523 : vector<16xi32>
        %parallel_loop3A_525 = arith.constant 0 : i32
        %parallel_loop3A_526 = arith.constant 64 : i32
        %parallel_loop3A_527 = arith.constant 1 : i32
        scf.for %parallel_loop3A_535 = %parallel_loop3A_525 to %parallel_loop3A_526 step %parallel_loop3A_527  : i32 {
          %parallel_loop3A_536 = arith.constant 96 : i32
          %parallel_loop3A_537 = arith.muli %parallel_loop3A_535, %parallel_loop3A_536 : i32
          %parallel_loop3A_538 = vector.broadcast %parallel_loop3A_537 : i32 to vector<16xi32>
          %parallel_loop3A_539 = arith.addi %parallel_loop3A_514, %parallel_loop3A_538 : vector<16xi32>
          %parallel_loop3A_540 = tpu.vector_load_idx %arg8[%parallel_loop3A_539] : memref<6144xf32, #tpu.memory_space<vmem>>[vector<16xi32>], vector<16xf32>,
          %parallel_loop3A_541 = vector.broadcast %parallel_loop3A_537 : i32 to vector<16xi32>
          %parallel_loop3A_542 = arith.addi %parallel_loop3A_521, %parallel_loop3A_541 : vector<16xi32>
          %parallel_loop3A_543 = tpu.vector_load_idx %arg8[%parallel_loop3A_542] : memref<6144xf32, #tpu.memory_space<vmem>>[vector<16xi32>], vector<16xf32>,
          %parallel_loop3A_544 = vector.broadcast %parallel_loop3A_537 : i32 to vector<16xi32>
          %parallel_loop3A_545 = arith.addi %parallel_loop3A_524, %parallel_loop3A_544 : vector<16xi32>
          %parallel_loop3A_546 = tpu.vector_load_idx %arg8[%parallel_loop3A_545] : memref<6144xf32, #tpu.memory_space<vmem>>[vector<16xi32>], vector<16xf32>,
          %parallel_loop3A_547 = arith.index_cast %parallel_loop3A_535 : i32 to index
          %parallel_loop3A_548 = arith.index_cast %parallel_loop3A_512 : i32 to index
          %parallel_loop3A_549 = tpu.vector_load %arg12[%parallel_loop3A_547, %parallel_loop3A_548] {strides = array<i32>} : memref<64x128xf32, #tpu.memory_space<vmem>>, vector<16xf32>,
          %parallel_loop3A_550 = arith.addf %parallel_loop3A_540, %parallel_loop3A_543 : vector<16xf32>
          %parallel_loop3A_551 = arith.addf %parallel_loop3A_550, %parallel_loop3A_546 : vector<16xf32>
          %parallel_loop3A_552 = arith.mulf %parallel_loop3A_549, %parallel_loop3A_551 : vector<16xf32>
          %parallel_loop3A_553 = arith.index_cast %parallel_loop3A_535 : i32 to index
          %parallel_loop3A_554 = arith.index_cast %parallel_loop3A_512 : i32 to index
          %parallel_loop3A_555 = tpu.vector_load %arg13[%parallel_loop3A_553, %parallel_loop3A_554] {strides = array<i32>} : memref<160x128xf32, #tpu.memory_space<vmem>>, vector<16xf32>,
          tpu.vector_store %arg13[%parallel_loop3A_553, %parallel_loop3A_554], %parallel_loop3A_552 {strides = array<i32>} : memref<160x128xf32, #tpu.memory_space<vmem>>, vector<16xf32>,
        } {sc.loop_unroll_factor = 4 : i64, sc.parallel_access}
        %parallel_loop3A_528 = arith.constant 1.000000e+00 : f32
        %parallel_loop3A_529 = vector.broadcast %parallel_loop3A_528 : f32 to vector<16xf32>
        %parallel_loop3A_530 = arith.constant 0.000000e+00 : f32
        %parallel_loop3A_531 = vector.broadcast %parallel_loop3A_530 : f32 to vector<16xf32>
        %parallel_loop3A_532 = arith.constant 0 : i32
        %parallel_loop3A_533 = arith.constant 32 : i32
        %parallel_loop3A_534 = arith.constant 1 : i32
        scf.for %parallel_loop3A_535 = %parallel_loop3A_532 to %parallel_loop3A_533 step %parallel_loop3A_534  : i32 {
          %parallel_loop3A_536 = vector.broadcast %parallel_loop3A_535 : i32 to vector<16xi32>
          %parallel_loop3A_537 = arith.cmpi eq, %parallel_loop3A_514, %parallel_loop3A_536 : vector<16xi32>
          %parallel_loop3A_538 = arith.select %parallel_loop3A_537, %parallel_loop3A_529, %parallel_loop3A_531 : vector<16xi1>, vector<16xf32>
          %parallel_loop3A_539 = arith.constant 64 : i32
          %parallel_loop3A_540 = arith.addi %parallel_loop3A_539, %parallel_loop3A_535 : i32
          %parallel_loop3A_541 = arith.index_cast %parallel_loop3A_540 : i32 to index
          %parallel_loop3A_542 = arith.index_cast %parallel_loop3A_512 : i32 to index
          %parallel_loop3A_543 = tpu.vector_load %arg13[%parallel_loop3A_541, %parallel_loop3A_542] {strides = array<i32>} : memref<160x128xf32, #tpu.memory_space<vmem>>, vector<16xf32>,
          tpu.vector_store %arg13[%parallel_loop3A_541, %parallel_loop3A_542], %parallel_loop3A_538 {strides = array<i32>} : memref<160x128xf32, #tpu.memory_space<vmem>>, vector<16xf32>,
          %parallel_loop3A_544 = vector.broadcast %parallel_loop3A_535 : i32 to vector<16xi32>
          %parallel_loop3A_545 = arith.cmpi eq, %parallel_loop3A_516, %parallel_loop3A_544 : vector<16xi32>
          %parallel_loop3A_546 = arith.select %parallel_loop3A_545, %parallel_loop3A_529, %parallel_loop3A_531 : vector<16xi1>, vector<16xf32>
          %parallel_loop3A_547 = arith.constant 96 : i32
          %parallel_loop3A_548 = arith.addi %parallel_loop3A_547, %parallel_loop3A_535 : i32
          %parallel_loop3A_549 = arith.index_cast %parallel_loop3A_548 : i32 to index
          %parallel_loop3A_550 = arith.index_cast %parallel_loop3A_512 : i32 to index
          %parallel_loop3A_551 = tpu.vector_load %arg13[%parallel_loop3A_549, %parallel_loop3A_550] {strides = array<i32>} : memref<160x128xf32, #tpu.memory_space<vmem>>, vector<16xf32>,
          tpu.vector_store %arg13[%parallel_loop3A_549, %parallel_loop3A_550], %parallel_loop3A_546 {strides = array<i32>} : memref<160x128xf32, #tpu.memory_space<vmem>>, vector<16xf32>,
          %parallel_loop3A_552 = vector.broadcast %parallel_loop3A_535 : i32 to vector<16xi32>
          %parallel_loop3A_553 = arith.cmpi eq, %parallel_loop3A_518, %parallel_loop3A_552 : vector<16xi32>
          %parallel_loop3A_554 = arith.select %parallel_loop3A_553, %parallel_loop3A_529, %parallel_loop3A_531 : vector<16xi1>, vector<16xf32>
          %parallel_loop3A_555 = arith.constant 128 : i32
          %parallel_loop3A_556 = arith.addi %parallel_loop3A_555, %parallel_loop3A_535 : i32
          %parallel_loop3A_557 = arith.index_cast %parallel_loop3A_556 : i32 to index
          %parallel_loop3A_558 = arith.index_cast %parallel_loop3A_512 : i32 to index
          %parallel_loop3A_559 = tpu.vector_load %arg13[%parallel_loop3A_557, %parallel_loop3A_558] {strides = array<i32>} : memref<160x128xf32, #tpu.memory_space<vmem>>, vector<16xf32>,
          tpu.vector_store %arg13[%parallel_loop3A_557, %parallel_loop3A_558], %parallel_loop3A_554 {strides = array<i32>} : memref<160x128xf32, #tpu.memory_space<vmem>>, vector<16xf32>,
        } {sc.loop_unroll_factor = 4 : i64, sc.parallel_access}
      } {sc.loop_unroll_factor = 1 : i64, sc.parallel_access}
      %add3A_324 = arith.addi %mul3A_2, %mul3A_175 : i32
      %jit3A_325 = arith.constant 8 : i32
      %div3A_326 = arith.divsi %add3A_324, %jit3A_325 : i32
      %sign3A_327 = arith.constant 0 : i32
      %sign3A_328 = arith.cmpi sgt, %add3A_324, %sign3A_327 : i32
      %sign3A_329 = arith.extui %sign3A_328 : i1 to i32
      %sign3A_330 = arith.constant 0 : i32
      %sign3A_331 = arith.cmpi slt, %add3A_324, %sign3A_330 : i32
      %sign3A_332 = arith.extui %sign3A_331 : i1 to i32
      %sign3A_333 = arith.subi %sign3A_329, %sign3A_332 : i32
      %sign3A_334 = arith.constant 0 : i32
      %sign3A_335 = arith.cmpi sgt, %jit3A_325, %sign3A_334 : i32
      %sign3A_336 = arith.extui %sign3A_335 : i1 to i32
      %sign3A_337 = arith.constant 0 : i32
      %sign3A_338 = arith.cmpi slt, %jit3A_325, %sign3A_337 : i32
      %sign3A_339 = arith.extui %sign3A_338 : i1 to i32
      %sign3A_340 = arith.subi %sign3A_336, %sign3A_339 : i32
      %ne3A_341 = arith.cmpi ne, %sign3A_333, %sign3A_340 : i32
      %rem3A_342 = arith.remsi %add3A_324, %jit3A_325 : i32
      %ne3A_343 = arith.constant 0 : i32
      %ne3A_344 = arith.cmpi ne, %rem3A_342, %ne3A_343 : i32
      %and3A_345 = arith.andi %ne3A_341, %ne3A_344 : i1
      %sub3A_346 = arith.constant 1 : i32
      %sub3A_347 = arith.subi %div3A_326, %sub3A_346 : i32
      %select_n3A_348 = arith.select %and3A_345, %sub3A_347, %div3A_326 : i32
      %jit3A_349 = arith.constant 8 : i32
      %eq3A_350 = arith.constant 0 : i32
      %eq3A_351 = arith.cmpi eq, %jit3A_349, %eq3A_350 : i32
      %jit3A_352 = arith.constant 1 : i32
      %select_n3A_353 = arith.select %eq3A_351, %jit3A_352, %jit3A_349 : i32
      %rem3A_354 = arith.remsi %add3A_324, %select_n3A_353 : i32
      %ne3A_355 = arith.constant 0 : i32
      %ne3A_356 = arith.cmpi ne, %rem3A_354, %ne3A_355 : i32
      %lt3A_357 = arith.constant 0 : i32
      %lt3A_358 = arith.cmpi slt, %rem3A_354, %lt3A_357 : i32
      %lt3A_359 = arith.constant 0 : i32
      %lt3A_360 = arith.cmpi slt, %select_n3A_353, %lt3A_359 : i32
      %ne3A_361 = arith.xori %lt3A_358, %lt3A_360 : i1
      %and3A_362 = arith.andi %ne3A_361, %ne3A_356 : i1
      %add3A_363 = arith.addi %rem3A_354, %select_n3A_353 : i32
      %select_n3A_364 = arith.select %and3A_362, %add3A_363, %rem3A_354 : i32
      %mul3A_365 = arith.constant 128 : i32
      %mul3A_366 = arith.muli %select_n3A_364, %mul3A_365 : i32
      %mul3A_367 = arith.constant 160 : i32
      %mul3A_368 = arith.muli %select_n3A_348, %mul3A_367 : i32
      %dma_start3A_369 = arith.constant 0 : i32
      %dma_start3A_370 = tpu.memref_slice %arg7[%mul3A_368, %mul3A_366] : memref<32000x1024xf32, #tpu.memory_space<hbm>> -> memref<160x128xf32, #tpu.memory_space<hbm>>
      %dma_start3A_371 = tpu.memref_slice %arg20[%dma_start3A_369] : memref<2x!tpu.dma_semaphore, #tpu.memory_space<semaphore_mem>> -> memref<1x!tpu.dma_semaphore, #tpu.memory_space<semaphore_mem>>
      %dma_start3A_372 = tpu.memref_squeeze %dma_start3A_371 : memref<1x!tpu.dma_semaphore, #tpu.memory_space<semaphore_mem>> -> memref<!tpu.dma_semaphore, #tpu.memory_space<semaphore_mem>>
      %dma_start3A_373 = tpu.memref_slice %arg7[%mul3A_368, %mul3A_366] : memref<32000x1024xf32, #tpu.memory_space<hbm>> -> memref<160x128xf32, #tpu.memory_space<hbm>>
      tpu.enqueue_dma source(%arg13 : memref<160x128xf32, #tpu.memory_space<vmem>>) target(%dma_start3A_373 : memref<160x128xf32, #tpu.memory_space<hbm>>) target_semaphore(%dma_start3A_372 : memref<!tpu.dma_semaphore, #tpu.memory_space<semaphore_mem>>)
      %add3A_374 = arith.constant 2 : i32
      %add3A_375 = arith.addi %mul3A_175, %add3A_374 : i32
      %lt3A_376 = arith.constant 50 : i32
      %lt3A_377 = arith.cmpi slt, %add3A_375, %lt3A_376 : i32
      %convert_element_type3A_378 = arith.extui %lt3A_377 : i1 to i32
      %cond3A_379 = arith.constant 0 : i32
      %cond3A_380 = arith.cmpi ne, %convert_element_type3A_378, %cond3A_379 : i32
      scf.if %cond3A_380 {
        %add3A_510 = arith.constant 2 : i32
        %add3A_511 = arith.addi %mul3A_175, %add3A_510 : i32
        %add3A_512 = arith.addi %mul3A_2, %add3A_511 : i32
        %jit3A_513 = arith.constant 8 : i32
        %div3A_514 = arith.divsi %add3A_512, %jit3A_513 : i32
        %sign3A_515 = arith.constant 0 : i32
        %sign3A_516 = arith.cmpi sgt, %add3A_512, %sign3A_515 : i32
        %sign3A_517 = arith.extui %sign3A_516 : i1 to i32
        %sign3A_518 = arith.constant 0 : i32
        %sign3A_519 = arith.cmpi slt, %add3A_512, %sign3A_518 : i32
        %sign3A_520 = arith.extui %sign3A_519 : i1 to i32
        %sign3A_521 = arith.subi %sign3A_517, %sign3A_520 : i32
        %sign3A_522 = arith.constant 0 : i32
        %sign3A_523 = arith.cmpi sgt, %jit3A_513, %sign3A_522 : i32
        %sign3A_524 = arith.extui %sign3A_523 : i1 to i32
        %sign3A_525 = arith.constant 0 : i32
        %sign3A_526 = arith.cmpi slt, %jit3A_513, %sign3A_525 : i32
        %sign3A_527 = arith.extui %sign3A_526 : i1 to i32
        %sign3A_528 = arith.subi %sign3A_524, %sign3A_527 : i32
        %ne3A_529 = arith.cmpi ne, %sign3A_521, %sign3A_528 : i32
        %rem3A_530 = arith.remsi %add3A_512, %jit3A_513 : i32
        %ne3A_531 = arith.constant 0 : i32
        %ne3A_532 = arith.cmpi ne, %rem3A_530, %ne3A_531 : i32
        %and3A_533 = arith.andi %ne3A_529, %ne3A_532 : i1
        %sub3A_534 = arith.constant 1 : i32
        %sub3A_535 = arith.subi %div3A_514, %sub3A_534 : i32
        %select_n3A_536 = arith.select %and3A_533, %sub3A_535, %div3A_514 : i32
        %jit3A_537 = arith.constant 8 : i32
        %eq3A_538 = arith.constant 0 : i32
        %eq3A_539 = arith.cmpi eq, %jit3A_537, %eq3A_538 : i32
        %jit3A_540 = arith.constant 1 : i32
        %select_n3A_541 = arith.select %eq3A_539, %jit3A_540, %jit3A_537 : i32
        %rem3A_542 = arith.remsi %add3A_512, %select_n3A_541 : i32
        %ne3A_543 = arith.constant 0 : i32
        %ne3A_544 = arith.cmpi ne, %rem3A_542, %ne3A_543 : i32
        %lt3A_545 = arith.constant 0 : i32
        %lt3A_546 = arith.cmpi slt, %rem3A_542, %lt3A_545 : i32
        %lt3A_547 = arith.constant 0 : i32
        %lt3A_548 = arith.cmpi slt, %select_n3A_541, %lt3A_547 : i32
        %ne3A_549 = arith.xori %lt3A_546, %lt3A_548 : i1
        %and3A_550 = arith.andi %ne3A_549, %ne3A_544 : i1
        %add3A_551 = arith.addi %rem3A_542, %select_n3A_541 : i32
        %select_n3A_552 = arith.select %and3A_550, %add3A_551, %rem3A_542 : i32
        %mul3A_553 = arith.constant 128 : i32
        %mul3A_554 = arith.muli %select_n3A_552, %mul3A_553 : i32
        %mul3A_555 = arith.constant 64 : i32
        %mul3A_556 = arith.muli %select_n3A_536, %mul3A_555 : i32
        %dma_start3A_557 = arith.constant 0 : i32
        %dma_start3A_558 = tpu.memref_slice %arg3[%select_n3A_536, %mul3A_554] : memref<200x1024xi32, #tpu.memory_space<hbm>> -> memref<1x128xi32, #tpu.memory_space<hbm>>
        %dma_start3A_559 = tpu.memref_squeeze %dma_start3A_558 : memref<1x128xi32, #tpu.memory_space<hbm>> -> memref<128xi32, #tpu.memory_space<hbm>>
        %dma_start3A_560 = tpu.memref_slice %arg19[%dma_start3A_557] : memref<2x!tpu.dma_semaphore, #tpu.memory_space<semaphore_mem>> -> memref<1x!tpu.dma_semaphore, #tpu.memory_space<semaphore_mem>>
        %dma_start3A_561 = tpu.memref_squeeze %dma_start3A_560 : memref<1x!tpu.dma_semaphore, #tpu.memory_space<semaphore_mem>> -> memref<!tpu.dma_semaphore, #tpu.memory_space<semaphore_mem>>
        %dma_start3A_562 = tpu.memref_slice %arg3[%select_n3A_536, %mul3A_554] : memref<200x1024xi32, #tpu.memory_space<hbm>> -> memref<1x128xi32, #tpu.memory_space<hbm>>
        %dma_start3A_563 = tpu.memref_squeeze %dma_start3A_562 : memref<1x128xi32, #tpu.memory_space<hbm>> -> memref<128xi32, #tpu.memory_space<hbm>>
        tpu.enqueue_dma source(%dma_start3A_563 : memref<128xi32, #tpu.memory_space<hbm>>) target(%arg9 : memref<128xi32, #tpu.memory_space<vmem>>) target_semaphore(%dma_start3A_561 : memref<!tpu.dma_semaphore, #tpu.memory_space<semaphore_mem>>)
        %dma_start3A_564 = arith.constant 0 : i32
        %dma_start3A_565 = tpu.memref_slice %arg4[%select_n3A_536, %mul3A_554] : memref<200x1024xi32, #tpu.memory_space<hbm>> -> memref<1x128xi32, #tpu.memory_space<hbm>>
        %dma_start3A_566 = tpu.memref_squeeze %dma_start3A_565 : memref<1x128xi32, #tpu.memory_space<hbm>> -> memref<128xi32, #tpu.memory_space<hbm>>
        %dma_start3A_567 = tpu.memref_slice %arg19[%dma_start3A_564] : memref<2x!tpu.dma_semaphore, #tpu.memory_space<semaphore_mem>> -> memref<1x!tpu.dma_semaphore, #tpu.memory_space<semaphore_mem>>
        %dma_start3A_568 = tpu.memref_squeeze %dma_start3A_567 : memref<1x!tpu.dma_semaphore, #tpu.memory_space<semaphore_mem>> -> memref<!tpu.dma_semaphore, #tpu.memory_space<semaphore_mem>>
        %dma_start3A_569 = tpu.memref_slice %arg4[%select_n3A_536, %mul3A_554] : memref<200x1024xi32, #tpu.memory_space<hbm>> -> memref<1x128xi32, #tpu.memory_space<hbm>>
        %dma_start3A_570 = tpu.memref_squeeze %dma_start3A_569 : memref<1x128xi32, #tpu.memory_space<hbm>> -> memref<128xi32, #tpu.memory_space<hbm>>
        tpu.enqueue_dma source(%dma_start3A_570 : memref<128xi32, #tpu.memory_space<hbm>>) target(%arg10 : memref<128xi32, #tpu.memory_space<vmem>>) target_semaphore(%dma_start3A_568 : memref<!tpu.dma_semaphore, #tpu.memory_space<semaphore_mem>>)
        %dma_start3A_571 = arith.constant 0 : i32
        %dma_start3A_572 = tpu.memref_slice %arg5[%select_n3A_536, %mul3A_554] : memref<200x1024xi32, #tpu.memory_space<hbm>> -> memref<1x128xi32, #tpu.memory_space<hbm>>
        %dma_start3A_573 = tpu.memref_squeeze %dma_start3A_572 : memref<1x128xi32, #tpu.memory_space<hbm>> -> memref<128xi32, #tpu.memory_space<hbm>>
        %dma_start3A_574 = tpu.memref_slice %arg19[%dma_start3A_571] : memref<2x!tpu.dma_semaphore, #tpu.memory_space<semaphore_mem>> -> memref<1x!tpu.dma_semaphore, #tpu.memory_space<semaphore_mem>>
        %dma_start3A_575 = tpu.memref_squeeze %dma_start3A_574 : memref<1x!tpu.dma_semaphore, #tpu.memory_space<semaphore_mem>> -> memref<!tpu.dma_semaphore, #tpu.memory_space<semaphore_mem>>
        %dma_start3A_576 = tpu.memref_slice %arg5[%select_n3A_536, %mul3A_554] : memref<200x1024xi32, #tpu.memory_space<hbm>> -> memref<1x128xi32, #tpu.memory_space<hbm>>
        %dma_start3A_577 = tpu.memref_squeeze %dma_start3A_576 : memref<1x128xi32, #tpu.memory_space<hbm>> -> memref<128xi32, #tpu.memory_space<hbm>>
        tpu.enqueue_dma source(%dma_start3A_577 : memref<128xi32, #tpu.memory_space<hbm>>) target(%arg11 : memref<128xi32, #tpu.memory_space<vmem>>) target_semaphore(%dma_start3A_575 : memref<!tpu.dma_semaphore, #tpu.memory_space<semaphore_mem>>)
        %dma_start3A_578 = arith.constant 0 : i32
        %dma_start3A_579 = tpu.memref_slice %arg2[%mul3A_556, %mul3A_554] : memref<12800x1024xf32, #tpu.memory_space<hbm>> -> memref<64x128xf32, #tpu.memory_space<hbm>>
        %dma_start3A_580 = tpu.memref_slice %arg19[%dma_start3A_578] : memref<2x!tpu.dma_semaphore, #tpu.memory_space<semaphore_mem>> -> memref<1x!tpu.dma_semaphore, #tpu.memory_space<semaphore_mem>>
        %dma_start3A_581 = tpu.memref_squeeze %dma_start3A_580 : memref<1x!tpu.dma_semaphore, #tpu.memory_space<semaphore_mem>> -> memref<!tpu.dma_semaphore, #tpu.memory_space<semaphore_mem>>
        %dma_start3A_582 = tpu.memref_slice %arg2[%mul3A_556, %mul3A_554] : memref<12800x1024xf32, #tpu.memory_space<hbm>> -> memref<64x128xf32, #tpu.memory_space<hbm>>
        tpu.enqueue_dma source(%dma_start3A_582 : memref<64x128xf32, #tpu.memory_space<hbm>>) target(%arg12 : memref<64x128xf32, #tpu.memory_space<vmem>>) target_semaphore(%dma_start3A_581 : memref<!tpu.dma_semaphore, #tpu.memory_space<semaphore_mem>>)
      } else {
      }
      %add3A_381 = arith.addi %mul3A_2, %add3A_177 : i32
      %jit3A_382 = arith.constant 8 : i32
      %div3A_383 = arith.divsi %add3A_381, %jit3A_382 : i32
      %sign3A_384 = arith.constant 0 : i32
      %sign3A_385 = arith.cmpi sgt, %add3A_381, %sign3A_384 : i32
      %sign3A_386 = arith.extui %sign3A_385 : i1 to i32
      %sign3A_387 = arith.constant 0 : i32
      %sign3A_388 = arith.cmpi slt, %add3A_381, %sign3A_387 : i32
      %sign3A_389 = arith.extui %sign3A_388 : i1 to i32
      %sign3A_390 = arith.subi %sign3A_386, %sign3A_389 : i32
      %sign3A_391 = arith.constant 0 : i32
      %sign3A_392 = arith.cmpi sgt, %jit3A_382, %sign3A_391 : i32
      %sign3A_393 = arith.extui %sign3A_392 : i1 to i32
      %sign3A_394 = arith.constant 0 : i32
      %sign3A_395 = arith.cmpi slt, %jit3A_382, %sign3A_394 : i32
      %sign3A_396 = arith.extui %sign3A_395 : i1 to i32
      %sign3A_397 = arith.subi %sign3A_393, %sign3A_396 : i32
      %ne3A_398 = arith.cmpi ne, %sign3A_390, %sign3A_397 : i32
      %rem3A_399 = arith.remsi %add3A_381, %jit3A_382 : i32
      %ne3A_400 = arith.constant 0 : i32
      %ne3A_401 = arith.cmpi ne, %rem3A_399, %ne3A_400 : i32
      %and3A_402 = arith.andi %ne3A_398, %ne3A_401 : i1
      %sub3A_403 = arith.constant 1 : i32
      %sub3A_404 = arith.subi %div3A_383, %sub3A_403 : i32
      %select_n3A_405 = arith.select %and3A_402, %sub3A_404, %div3A_383 : i32
      %jit3A_406 = arith.constant 8 : i32
      %eq3A_407 = arith.constant 0 : i32
      %eq3A_408 = arith.cmpi eq, %jit3A_406, %eq3A_407 : i32
      %jit3A_409 = arith.constant 1 : i32
      %select_n3A_410 = arith.select %eq3A_408, %jit3A_409, %jit3A_406 : i32
      %rem3A_411 = arith.remsi %add3A_381, %select_n3A_410 : i32
      %ne3A_412 = arith.constant 0 : i32
      %ne3A_413 = arith.cmpi ne, %rem3A_411, %ne3A_412 : i32
      %lt3A_414 = arith.constant 0 : i32
      %lt3A_415 = arith.cmpi slt, %rem3A_411, %lt3A_414 : i32
      %lt3A_416 = arith.constant 0 : i32
      %lt3A_417 = arith.cmpi slt, %select_n3A_410, %lt3A_416 : i32
      %ne3A_418 = arith.xori %lt3A_415, %lt3A_417 : i1
      %and3A_419 = arith.andi %ne3A_418, %ne3A_413 : i1
      %add3A_420 = arith.addi %rem3A_411, %select_n3A_410 : i32
      %select_n3A_421 = arith.select %and3A_419, %add3A_420, %rem3A_411 : i32
      %mul3A_422 = arith.constant 128 : i32
      %mul3A_423 = arith.muli %select_n3A_421, %mul3A_422 : i32
      %mul3A_424 = arith.constant 64 : i32
      %mul3A_425 = arith.muli %select_n3A_405, %mul3A_424 : i32
      %dma_wait3A_426 = arith.constant 1 : i32
      %dma_wait3A_427 = tpu.memref_slice %arg3[%select_n3A_405, %mul3A_423] : memref<200x1024xi32, #tpu.memory_space<hbm>> -> memref<1x128xi32, #tpu.memory_space<hbm>>
      %dma_wait3A_428 = tpu.memref_squeeze %dma_wait3A_427 : memref<1x128xi32, #tpu.memory_space<hbm>> -> memref<128xi32, #tpu.memory_space<hbm>>
      %dma_wait3A_429 = tpu.memref_slice %arg19[%dma_wait3A_426] : memref<2x!tpu.dma_semaphore, #tpu.memory_space<semaphore_mem>> -> memref<1x!tpu.dma_semaphore, #tpu.memory_space<semaphore_mem>>
      %dma_wait3A_430 = tpu.memref_squeeze %dma_wait3A_429 : memref<1x!tpu.dma_semaphore, #tpu.memory_space<semaphore_mem>> -> memref<!tpu.dma_semaphore, #tpu.memory_space<semaphore_mem>>
      %dma_wait3A_431 = tpu.memref_slice %arg3[%select_n3A_405, %mul3A_423] : memref<200x1024xi32, #tpu.memory_space<hbm>> -> memref<1x128xi32, #tpu.memory_space<hbm>>
      %dma_wait3A_432 = tpu.memref_squeeze %dma_wait3A_431 : memref<1x128xi32, #tpu.memory_space<hbm>> -> memref<128xi32, #tpu.memory_space<hbm>>
      tpu.wait_dma2 semaphore(%dma_wait3A_430 : memref<!tpu.dma_semaphore, #tpu.memory_space<semaphore_mem>>) src(%dma_wait3A_432 : memref<128xi32, #tpu.memory_space<hbm>>) dst(%arg14 : memref<128xi32, #tpu.memory_space<vmem>>)
      %dma_wait3A_433 = arith.constant 1 : i32
      %dma_wait3A_434 = tpu.memref_slice %arg4[%select_n3A_405, %mul3A_423] : memref<200x1024xi32, #tpu.memory_space<hbm>> -> memref<1x128xi32, #tpu.memory_space<hbm>>
      %dma_wait3A_435 = tpu.memref_squeeze %dma_wait3A_434 : memref<1x128xi32, #tpu.memory_space<hbm>> -> memref<128xi32, #tpu.memory_space<hbm>>
      %dma_wait3A_436 = tpu.memref_slice %arg19[%dma_wait3A_433] : memref<2x!tpu.dma_semaphore, #tpu.memory_space<semaphore_mem>> -> memref<1x!tpu.dma_semaphore, #tpu.memory_space<semaphore_mem>>
      %dma_wait3A_437 = tpu.memref_squeeze %dma_wait3A_436 : memref<1x!tpu.dma_semaphore, #tpu.memory_space<semaphore_mem>> -> memref<!tpu.dma_semaphore, #tpu.memory_space<semaphore_mem>>
      %dma_wait3A_438 = tpu.memref_slice %arg4[%select_n3A_405, %mul3A_423] : memref<200x1024xi32, #tpu.memory_space<hbm>> -> memref<1x128xi32, #tpu.memory_space<hbm>>
      %dma_wait3A_439 = tpu.memref_squeeze %dma_wait3A_438 : memref<1x128xi32, #tpu.memory_space<hbm>> -> memref<128xi32, #tpu.memory_space<hbm>>
      tpu.wait_dma2 semaphore(%dma_wait3A_437 : memref<!tpu.dma_semaphore, #tpu.memory_space<semaphore_mem>>) src(%dma_wait3A_439 : memref<128xi32, #tpu.memory_space<hbm>>) dst(%arg15 : memref<128xi32, #tpu.memory_space<vmem>>)
      %dma_wait3A_440 = arith.constant 1 : i32
      %dma_wait3A_441 = tpu.memref_slice %arg5[%select_n3A_405, %mul3A_423] : memref<200x1024xi32, #tpu.memory_space<hbm>> -> memref<1x128xi32, #tpu.memory_space<hbm>>
      %dma_wait3A_442 = tpu.memref_squeeze %dma_wait3A_441 : memref<1x128xi32, #tpu.memory_space<hbm>> -> memref<128xi32, #tpu.memory_space<hbm>>
      %dma_wait3A_443 = tpu.memref_slice %arg19[%dma_wait3A_440] : memref<2x!tpu.dma_semaphore, #tpu.memory_space<semaphore_mem>> -> memref<1x!tpu.dma_semaphore, #tpu.memory_space<semaphore_mem>>
      %dma_wait3A_444 = tpu.memref_squeeze %dma_wait3A_443 : memref<1x!tpu.dma_semaphore, #tpu.memory_space<semaphore_mem>> -> memref<!tpu.dma_semaphore, #tpu.memory_space<semaphore_mem>>
      %dma_wait3A_445 = tpu.memref_slice %arg5[%select_n3A_405, %mul3A_423] : memref<200x1024xi32, #tpu.memory_space<hbm>> -> memref<1x128xi32, #tpu.memory_space<hbm>>
      %dma_wait3A_446 = tpu.memref_squeeze %dma_wait3A_445 : memref<1x128xi32, #tpu.memory_space<hbm>> -> memref<128xi32, #tpu.memory_space<hbm>>
      tpu.wait_dma2 semaphore(%dma_wait3A_444 : memref<!tpu.dma_semaphore, #tpu.memory_space<semaphore_mem>>) src(%dma_wait3A_446 : memref<128xi32, #tpu.memory_space<hbm>>) dst(%arg16 : memref<128xi32, #tpu.memory_space<vmem>>)
      %dma_wait3A_447 = arith.constant 1 : i32
      %dma_wait3A_448 = tpu.memref_slice %arg2[%mul3A_425, %mul3A_423] : memref<12800x1024xf32, #tpu.memory_space<hbm>> -> memref<64x128xf32, #tpu.memory_space<hbm>>
      %dma_wait3A_449 = tpu.memref_slice %arg19[%dma_wait3A_447] : memref<2x!tpu.dma_semaphore, #tpu.memory_space<semaphore_mem>> -> memref<1x!tpu.dma_semaphore, #tpu.memory_space<semaphore_mem>>
      %dma_wait3A_450 = tpu.memref_squeeze %dma_wait3A_449 : memref<1x!tpu.dma_semaphore, #tpu.memory_space<semaphore_mem>> -> memref<!tpu.dma_semaphore, #tpu.memory_space<semaphore_mem>>
      %dma_wait3A_451 = tpu.memref_slice %arg2[%mul3A_425, %mul3A_423] : memref<12800x1024xf32, #tpu.memory_space<hbm>> -> memref<64x128xf32, #tpu.memory_space<hbm>>
      tpu.wait_dma2 semaphore(%dma_wait3A_450 : memref<!tpu.dma_semaphore, #tpu.memory_space<semaphore_mem>>) src(%dma_wait3A_451 : memref<64x128xf32, #tpu.memory_space<hbm>>) dst(%arg17 : memref<64x128xf32, #tpu.memory_space<vmem>>)
      %gt3A_452 = arith.constant 0 : i32
      %gt3A_453 = arith.cmpi sgt, %add3A_173, %gt3A_452 : i32
      %convert_element_type3A_454 = arith.extui %gt3A_453 : i1 to i32
      %cond3A_455 = arith.constant 0 : i32
      %cond3A_456 = arith.cmpi ne, %convert_element_type3A_454, %cond3A_455 : i32
      scf.if %cond3A_456 {
        %add3A_510 = arith.addi %mul3A_2, %add3A_177 : i32
        %jit3A_511 = arith.constant 8 : i32
        %div3A_512 = arith.divsi %add3A_510, %jit3A_511 : i32
        %sign3A_513 = arith.constant 0 : i32
        %sign3A_514 = arith.cmpi sgt, %add3A_510, %sign3A_513 : i32
        %sign3A_515 = arith.extui %sign3A_514 : i1 to i32
        %sign3A_516 = arith.constant 0 : i32
        %sign3A_517 = arith.cmpi slt, %add3A_510, %sign3A_516 : i32
        %sign3A_518 = arith.extui %sign3A_517 : i1 to i32
        %sign3A_519 = arith.subi %sign3A_515, %sign3A_518 : i32
        %sign3A_520 = arith.constant 0 : i32
        %sign3A_521 = arith.cmpi sgt, %jit3A_511, %sign3A_520 : i32
        %sign3A_522 = arith.extui %sign3A_521 : i1 to i32
        %sign3A_523 = arith.constant 0 : i32
        %sign3A_524 = arith.cmpi slt, %jit3A_511, %sign3A_523 : i32
        %sign3A_525 = arith.extui %sign3A_524 : i1 to i32
        %sign3A_526 = arith.subi %sign3A_522, %sign3A_525 : i32
        %ne3A_527 = arith.cmpi ne, %sign3A_519, %sign3A_526 : i32
        %rem3A_528 = arith.remsi %add3A_510, %jit3A_511 : i32
        %ne3A_529 = arith.constant 0 : i32
        %ne3A_530 = arith.cmpi ne, %rem3A_528, %ne3A_529 : i32
        %and3A_531 = arith.andi %ne3A_527, %ne3A_530 : i1
        %sub3A_532 = arith.constant 1 : i32
        %sub3A_533 = arith.subi %div3A_512, %sub3A_532 : i32
        %select_n3A_534 = arith.select %and3A_531, %sub3A_533, %div3A_512 : i32
        %jit3A_535 = arith.constant 8 : i32
        %eq3A_536 = arith.constant 0 : i32
        %eq3A_537 = arith.cmpi eq, %jit3A_535, %eq3A_536 : i32
        %jit3A_538 = arith.constant 1 : i32
        %select_n3A_539 = arith.select %eq3A_537, %jit3A_538, %jit3A_535 : i32
        %rem3A_540 = arith.remsi %add3A_510, %select_n3A_539 : i32
        %ne3A_541 = arith.constant 0 : i32
        %ne3A_542 = arith.cmpi ne, %rem3A_540, %ne3A_541 : i32
        %lt3A_543 = arith.constant 0 : i32
        %lt3A_544 = arith.cmpi slt, %rem3A_540, %lt3A_543 : i32
        %lt3A_545 = arith.constant 0 : i32
        %lt3A_546 = arith.cmpi slt, %select_n3A_539, %lt3A_545 : i32
        %ne3A_547 = arith.xori %lt3A_544, %lt3A_546 : i1
        %and3A_548 = arith.andi %ne3A_547, %ne3A_542 : i1
        %add3A_549 = arith.addi %rem3A_540, %select_n3A_539 : i32
        %select_n3A_550 = arith.select %and3A_548, %add3A_549, %rem3A_540 : i32
        %mul3A_551 = arith.constant 128 : i32
        %mul3A_552 = arith.muli %select_n3A_550, %mul3A_551 : i32
        %mul3A_553 = arith.constant 160 : i32
        %mul3A_554 = arith.muli %select_n3A_534, %mul3A_553 : i32
        %dma_wait3A_555 = arith.constant 1 : i32
        %dma_wait3A_556 = tpu.memref_slice %arg7[%mul3A_554, %mul3A_552] : memref<32000x1024xf32, #tpu.memory_space<hbm>> -> memref<160x128xf32, #tpu.memory_space<hbm>>
        %dma_wait3A_557 = tpu.memref_slice %arg20[%dma_wait3A_555] : memref<2x!tpu.dma_semaphore, #tpu.memory_space<semaphore_mem>> -> memref<1x!tpu.dma_semaphore, #tpu.memory_space<semaphore_mem>>
        %dma_wait3A_558 = tpu.memref_squeeze %dma_wait3A_557 : memref<1x!tpu.dma_semaphore, #tpu.memory_space<semaphore_mem>> -> memref<!tpu.dma_semaphore, #tpu.memory_space<semaphore_mem>>
        %dma_wait3A_559 = tpu.memref_slice %arg7[%mul3A_554, %mul3A_552] : memref<32000x1024xf32, #tpu.memory_space<hbm>> -> memref<160x128xf32, #tpu.memory_space<hbm>>
        tpu.wait_dma2 semaphore(%dma_wait3A_558 : memref<!tpu.dma_semaphore, #tpu.memory_space<semaphore_mem>>) src(%arg18 : memref<160x128xf32, #tpu.memory_space<vmem>>) dst(%dma_wait3A_559 : memref<160x128xf32, #tpu.memory_space<hbm>>)
      } else {
      }
      %parallel_loop3A_457 = arith.constant 0 : i32
      %parallel_loop3A_458 = arith.constant 8 : i32
      %parallel_loop3A_459 = arith.constant 1 : i32
      scf.for %parallel_loop3A_510 = %parallel_loop3A_457 to %parallel_loop3A_458 step %parallel_loop3A_459  : i32 {
        %parallel_loop3A_511 = arith.constant 16 : i32
        %parallel_loop3A_512 = arith.muli %parallel_loop3A_510, %parallel_loop3A_511 : i32
        %parallel_loop3A_513 = arith.index_cast %parallel_loop3A_512 : i32 to index
        %parallel_loop3A_514 = tpu.vector_load %arg14[%parallel_loop3A_513] {strides = array<i32>} : memref<128xi32, #tpu.memory_space<vmem>>, vector<16xi32>,
        %parallel_loop3A_515 = arith.index_cast %parallel_loop3A_512 : i32 to index
        %parallel_loop3A_516 = tpu.vector_load %arg15[%parallel_loop3A_515] {strides = array<i32>} : memref<128xi32, #tpu.memory_space<vmem>>, vector<16xi32>,
        %parallel_loop3A_517 = arith.index_cast %parallel_loop3A_512 : i32 to index
        %parallel_loop3A_518 = tpu.vector_load %arg16[%parallel_loop3A_517] {strides = array<i32>} : memref<128xi32, #tpu.memory_space<vmem>>, vector<16xi32>,
        %parallel_loop3A_519 = arith.constant 32 : i32
        %parallel_loop3A_520 = vector.broadcast %parallel_loop3A_519 : i32 to vector<16xi32>
        %parallel_loop3A_521 = arith.addi %parallel_loop3A_516, %parallel_loop3A_520 : vector<16xi32>
        %parallel_loop3A_522 = arith.constant 64 : i32
        %parallel_loop3A_523 = vector.broadcast %parallel_loop3A_522 : i32 to vector<16xi32>
        %parallel_loop3A_524 = arith.addi %parallel_loop3A_518, %parallel_loop3A_523 : vector<16xi32>
        %parallel_loop3A_525 = arith.constant 0 : i32
        %parallel_loop3A_526 = arith.constant 64 : i32
        %parallel_loop3A_527 = arith.constant 1 : i32
        scf.for %parallel_loop3A_535 = %parallel_loop3A_525 to %parallel_loop3A_526 step %parallel_loop3A_527  : i32 {
          %parallel_loop3A_536 = arith.constant 96 : i32
          %parallel_loop3A_537 = arith.muli %parallel_loop3A_535, %parallel_loop3A_536 : i32
          %parallel_loop3A_538 = vector.broadcast %parallel_loop3A_537 : i32 to vector<16xi32>
          %parallel_loop3A_539 = arith.addi %parallel_loop3A_514, %parallel_loop3A_538 : vector<16xi32>
          %parallel_loop3A_540 = tpu.vector_load_idx %arg8[%parallel_loop3A_539] : memref<6144xf32, #tpu.memory_space<vmem>>[vector<16xi32>], vector<16xf32>,
          %parallel_loop3A_541 = vector.broadcast %parallel_loop3A_537 : i32 to vector<16xi32>
          %parallel_loop3A_542 = arith.addi %parallel_loop3A_521, %parallel_loop3A_541 : vector<16xi32>
          %parallel_loop3A_543 = tpu.vector_load_idx %arg8[%parallel_loop3A_542] : memref<6144xf32, #tpu.memory_space<vmem>>[vector<16xi32>], vector<16xf32>,
          %parallel_loop3A_544 = vector.broadcast %parallel_loop3A_537 : i32 to vector<16xi32>
          %parallel_loop3A_545 = arith.addi %parallel_loop3A_524, %parallel_loop3A_544 : vector<16xi32>
          %parallel_loop3A_546 = tpu.vector_load_idx %arg8[%parallel_loop3A_545] : memref<6144xf32, #tpu.memory_space<vmem>>[vector<16xi32>], vector<16xf32>,
          %parallel_loop3A_547 = arith.index_cast %parallel_loop3A_535 : i32 to index
          %parallel_loop3A_548 = arith.index_cast %parallel_loop3A_512 : i32 to index
          %parallel_loop3A_549 = tpu.vector_load %arg17[%parallel_loop3A_547, %parallel_loop3A_548] {strides = array<i32>} : memref<64x128xf32, #tpu.memory_space<vmem>>, vector<16xf32>,
          %parallel_loop3A_550 = arith.addf %parallel_loop3A_540, %parallel_loop3A_543 : vector<16xf32>
          %parallel_loop3A_551 = arith.addf %parallel_loop3A_550, %parallel_loop3A_546 : vector<16xf32>
          %parallel_loop3A_552 = arith.mulf %parallel_loop3A_549, %parallel_loop3A_551 : vector<16xf32>
          %parallel_loop3A_553 = arith.index_cast %parallel_loop3A_535 : i32 to index
          %parallel_loop3A_554 = arith.index_cast %parallel_loop3A_512 : i32 to index
          %parallel_loop3A_555 = tpu.vector_load %arg18[%parallel_loop3A_553, %parallel_loop3A_554] {strides = array<i32>} : memref<160x128xf32, #tpu.memory_space<vmem>>, vector<16xf32>,
          tpu.vector_store %arg18[%parallel_loop3A_553, %parallel_loop3A_554], %parallel_loop3A_552 {strides = array<i32>} : memref<160x128xf32, #tpu.memory_space<vmem>>, vector<16xf32>,
        } {sc.loop_unroll_factor = 4 : i64, sc.parallel_access}
        %parallel_loop3A_528 = arith.constant 1.000000e+00 : f32
        %parallel_loop3A_529 = vector.broadcast %parallel_loop3A_528 : f32 to vector<16xf32>
        %parallel_loop3A_530 = arith.constant 0.000000e+00 : f32
        %parallel_loop3A_531 = vector.broadcast %parallel_loop3A_530 : f32 to vector<16xf32>
        %parallel_loop3A_532 = arith.constant 0 : i32
        %parallel_loop3A_533 = arith.constant 32 : i32
        %parallel_loop3A_534 = arith.constant 1 : i32
        scf.for %parallel_loop3A_535 = %parallel_loop3A_532 to %parallel_loop3A_533 step %parallel_loop3A_534  : i32 {
          %parallel_loop3A_536 = vector.broadcast %parallel_loop3A_535 : i32 to vector<16xi32>
          %parallel_loop3A_537 = arith.cmpi eq, %parallel_loop3A_514, %parallel_loop3A_536 : vector<16xi32>
          %parallel_loop3A_538 = arith.select %parallel_loop3A_537, %parallel_loop3A_529, %parallel_loop3A_531 : vector<16xi1>, vector<16xf32>
          %parallel_loop3A_539 = arith.constant 64 : i32
          %parallel_loop3A_540 = arith.addi %parallel_loop3A_539, %parallel_loop3A_535 : i32
          %parallel_loop3A_541 = arith.index_cast %parallel_loop3A_540 : i32 to index
          %parallel_loop3A_542 = arith.index_cast %parallel_loop3A_512 : i32 to index
          %parallel_loop3A_543 = tpu.vector_load %arg18[%parallel_loop3A_541, %parallel_loop3A_542] {strides = array<i32>} : memref<160x128xf32, #tpu.memory_space<vmem>>, vector<16xf32>,
          tpu.vector_store %arg18[%parallel_loop3A_541, %parallel_loop3A_542], %parallel_loop3A_538 {strides = array<i32>} : memref<160x128xf32, #tpu.memory_space<vmem>>, vector<16xf32>,
          %parallel_loop3A_544 = vector.broadcast %parallel_loop3A_535 : i32 to vector<16xi32>
          %parallel_loop3A_545 = arith.cmpi eq, %parallel_loop3A_516, %parallel_loop3A_544 : vector<16xi32>
          %parallel_loop3A_546 = arith.select %parallel_loop3A_545, %parallel_loop3A_529, %parallel_loop3A_531 : vector<16xi1>, vector<16xf32>
          %parallel_loop3A_547 = arith.constant 96 : i32
          %parallel_loop3A_548 = arith.addi %parallel_loop3A_547, %parallel_loop3A_535 : i32
          %parallel_loop3A_549 = arith.index_cast %parallel_loop3A_548 : i32 to index
          %parallel_loop3A_550 = arith.index_cast %parallel_loop3A_512 : i32 to index
          %parallel_loop3A_551 = tpu.vector_load %arg18[%parallel_loop3A_549, %parallel_loop3A_550] {strides = array<i32>} : memref<160x128xf32, #tpu.memory_space<vmem>>, vector<16xf32>,
          tpu.vector_store %arg18[%parallel_loop3A_549, %parallel_loop3A_550], %parallel_loop3A_546 {strides = array<i32>} : memref<160x128xf32, #tpu.memory_space<vmem>>, vector<16xf32>,
          %parallel_loop3A_552 = vector.broadcast %parallel_loop3A_535 : i32 to vector<16xi32>
          %parallel_loop3A_553 = arith.cmpi eq, %parallel_loop3A_518, %parallel_loop3A_552 : vector<16xi32>
          %parallel_loop3A_554 = arith.select %parallel_loop3A_553, %parallel_loop3A_529, %parallel_loop3A_531 : vector<16xi1>, vector<16xf32>
          %parallel_loop3A_555 = arith.constant 128 : i32
          %parallel_loop3A_556 = arith.addi %parallel_loop3A_555, %parallel_loop3A_535 : i32
          %parallel_loop3A_557 = arith.index_cast %parallel_loop3A_556 : i32 to index
          %parallel_loop3A_558 = arith.index_cast %parallel_loop3A_512 : i32 to index
          %parallel_loop3A_559 = tpu.vector_load %arg18[%parallel_loop3A_557, %parallel_loop3A_558] {strides = array<i32>} : memref<160x128xf32, #tpu.memory_space<vmem>>, vector<16xf32>,
          tpu.vector_store %arg18[%parallel_loop3A_557, %parallel_loop3A_558], %parallel_loop3A_554 {strides = array<i32>} : memref<160x128xf32, #tpu.memory_space<vmem>>, vector<16xf32>,
        } {sc.loop_unroll_factor = 4 : i64, sc.parallel_access}
      } {sc.loop_unroll_factor = 1 : i64, sc.parallel_access}
      %add3A_460 = arith.addi %mul3A_2, %add3A_177 : i32
      %jit3A_461 = arith.constant 8 : i32
      %div3A_462 = arith.divsi %add3A_460, %jit3A_461 : i32
      %sign3A_463 = arith.constant 0 : i32
      %sign3A_464 = arith.cmpi sgt, %add3A_460, %sign3A_463 : i32
      %sign3A_465 = arith.extui %sign3A_464 : i1 to i32
      %sign3A_466 = arith.constant 0 : i32
      %sign3A_467 = arith.cmpi slt, %add3A_460, %sign3A_466 : i32
      %sign3A_468 = arith.extui %sign3A_467 : i1 to i32
      %sign3A_469 = arith.subi %sign3A_465, %sign3A_468 : i32
      %sign3A_470 = arith.constant 0 : i32
      %sign3A_471 = arith.cmpi sgt, %jit3A_461, %sign3A_470 : i32
      %sign3A_472 = arith.extui %sign3A_471 : i1 to i32
      %sign3A_473 = arith.constant 0 : i32
      %sign3A_474 = arith.cmpi slt, %jit3A_461, %sign3A_473 : i32
      %sign3A_475 = arith.extui %sign3A_474 : i1 to i32
      %sign3A_476 = arith.subi %sign3A_472, %sign3A_475 : i32
      %ne3A_477 = arith.cmpi ne, %sign3A_469, %sign3A_476 : i32
      %rem3A_478 = arith.remsi %add3A_460, %jit3A_461 : i32
      %ne3A_479 = arith.constant 0 : i32
      %ne3A_480 = arith.cmpi ne, %rem3A_478, %ne3A_479 : i32
      %and3A_481 = arith.andi %ne3A_477, %ne3A_480 : i1
      %sub3A_482 = arith.constant 1 : i32
      %sub3A_483 = arith.subi %div3A_462, %sub3A_482 : i32
      %select_n3A_484 = arith.select %and3A_481, %sub3A_483, %div3A_462 : i32
      %jit3A_485 = arith.constant 8 : i32
      %eq3A_486 = arith.constant 0 : i32
      %eq3A_487 = arith.cmpi eq, %jit3A_485, %eq3A_486 : i32
      %jit3A_488 = arith.constant 1 : i32
      %select_n3A_489 = arith.select %eq3A_487, %jit3A_488, %jit3A_485 : i32
      %rem3A_490 = arith.remsi %add3A_460, %select_n3A_489 : i32
      %ne3A_491 = arith.constant 0 : i32
      %ne3A_492 = arith.cmpi ne, %rem3A_490, %ne3A_491 : i32
      %lt3A_493 = arith.constant 0 : i32
      %lt3A_494 = arith.cmpi slt, %rem3A_490, %lt3A_493 : i32
      %lt3A_495 = arith.constant 0 : i32
      %lt3A_496 = arith.cmpi slt, %select_n3A_489, %lt3A_495 : i32
      %ne3A_497 = arith.xori %lt3A_494, %lt3A_496 : i1
      %and3A_498 = arith.andi %ne3A_497, %ne3A_492 : i1
      %add3A_499 = arith.addi %rem3A_490, %select_n3A_489 : i32
      %select_n3A_500 = arith.select %and3A_498, %add3A_499, %rem3A_490 : i32
      %mul3A_501 = arith.constant 128 : i32
      %mul3A_502 = arith.muli %select_n3A_500, %mul3A_501 : i32
      %mul3A_503 = arith.constant 160 : i32
      %mul3A_504 = arith.muli %select_n3A_484, %mul3A_503 : i32
      %dma_start3A_505 = arith.constant 1 : i32
      %dma_start3A_506 = tpu.memref_slice %arg7[%mul3A_504, %mul3A_502] : memref<32000x1024xf32, #tpu.memory_space<hbm>> -> memref<160x128xf32, #tpu.memory_space<hbm>>
      %dma_start3A_507 = tpu.memref_slice %arg20[%dma_start3A_505] : memref<2x!tpu.dma_semaphore, #tpu.memory_space<semaphore_mem>> -> memref<1x!tpu.dma_semaphore, #tpu.memory_space<semaphore_mem>>
      %dma_start3A_508 = tpu.memref_squeeze %dma_start3A_507 : memref<1x!tpu.dma_semaphore, #tpu.memory_space<semaphore_mem>> -> memref<!tpu.dma_semaphore, #tpu.memory_space<semaphore_mem>>
      %dma_start3A_509 = tpu.memref_slice %arg7[%mul3A_504, %mul3A_502] : memref<32000x1024xf32, #tpu.memory_space<hbm>> -> memref<160x128xf32, #tpu.memory_space<hbm>>
      tpu.enqueue_dma source(%arg18 : memref<160x128xf32, #tpu.memory_space<vmem>>) target(%dma_start3A_509 : memref<160x128xf32, #tpu.memory_space<hbm>>) target_semaphore(%dma_start3A_508 : memref<!tpu.dma_semaphore, #tpu.memory_space<semaphore_mem>>)
    }
    %scan3A_67 = arith.constant 25 : i32
    %add3A_68 = arith.constant 48 : i32
    %add3A_69 = arith.addi %mul3A_2, %add3A_68 : i32
    %jit3A_70 = arith.constant 8 : i32
    %div3A_71 = arith.divsi %add3A_69, %jit3A_70 : i32
    %sign3A_72 = arith.constant 0 : i32
    %sign3A_73 = arith.cmpi sgt, %add3A_69, %sign3A_72 : i32
    %sign3A_74 = arith.extui %sign3A_73 : i1 to i32
    %sign3A_75 = arith.constant 0 : i32
    %sign3A_76 = arith.cmpi slt, %add3A_69, %sign3A_75 : i32
    %sign3A_77 = arith.extui %sign3A_76 : i1 to i32
    %sign3A_78 = arith.subi %sign3A_74, %sign3A_77 : i32
    %sign3A_79 = arith.constant 0 : i32
    %sign3A_80 = arith.cmpi sgt, %jit3A_70, %sign3A_79 : i32
    %sign3A_81 = arith.extui %sign3A_80 : i1 to i32
    %sign3A_82 = arith.constant 0 : i32
    %sign3A_83 = arith.cmpi slt, %jit3A_70, %sign3A_82 : i32
    %sign3A_84 = arith.extui %sign3A_83 : i1 to i32
    %sign3A_85 = arith.subi %sign3A_81, %sign3A_84 : i32
    %ne3A_86 = arith.cmpi ne, %sign3A_78, %sign3A_85 : i32
    %rem3A_87 = arith.remsi %add3A_69, %jit3A_70 : i32
    %ne3A_88 = arith.constant 0 : i32
    %ne3A_89 = arith.cmpi ne, %rem3A_87, %ne3A_88 : i32
    %and3A_90 = arith.andi %ne3A_86, %ne3A_89 : i1
    %sub3A_91 = arith.constant 1 : i32
    %sub3A_92 = arith.subi %div3A_71, %sub3A_91 : i32
    %select_n3A_93 = arith.select %and3A_90, %sub3A_92, %div3A_71 : i32
    %jit3A_94 = arith.constant 8 : i32
    %eq3A_95 = arith.constant 0 : i32
    %eq3A_96 = arith.cmpi eq, %jit3A_94, %eq3A_95 : i32
    %jit3A_97 = arith.constant 1 : i32
    %select_n3A_98 = arith.select %eq3A_96, %jit3A_97, %jit3A_94 : i32
    %rem3A_99 = arith.remsi %add3A_69, %select_n3A_98 : i32
    %ne3A_100 = arith.constant 0 : i32
    %ne3A_101 = arith.cmpi ne, %rem3A_99, %ne3A_100 : i32
    %lt3A_102 = arith.constant 0 : i32
    %lt3A_103 = arith.cmpi slt, %rem3A_99, %lt3A_102 : i32
    %lt3A_104 = arith.constant 0 : i32
    %lt3A_105 = arith.cmpi slt, %select_n3A_98, %lt3A_104 : i32
    %ne3A_106 = arith.xori %lt3A_103, %lt3A_105 : i1
    %and3A_107 = arith.andi %ne3A_106, %ne3A_101 : i1
    %add3A_108 = arith.addi %rem3A_99, %select_n3A_98 : i32
    %select_n3A_109 = arith.select %and3A_107, %add3A_108, %rem3A_99 : i32
    %mul3A_110 = arith.constant 128 : i32
    %mul3A_111 = arith.muli %select_n3A_109, %mul3A_110 : i32
    %mul3A_112 = arith.constant 160 : i32
    %mul3A_113 = arith.muli %select_n3A_93, %mul3A_112 : i32
    %dma_wait3A = arith.constant 0 : i32
    %dma_wait3A_114 = tpu.memref_slice %arg7[%mul3A_113, %mul3A_111] : memref<32000x1024xf32, #tpu.memory_space<hbm>> -> memref<160x128xf32, #tpu.memory_space<hbm>>
    %dma_wait3A_115 = tpu.memref_slice %arg20[%dma_wait3A] : memref<2x!tpu.dma_semaphore, #tpu.memory_space<semaphore_mem>> -> memref<1x!tpu.dma_semaphore, #tpu.memory_space<semaphore_mem>>
    %dma_wait3A_116 = tpu.memref_squeeze %dma_wait3A_115 : memref<1x!tpu.dma_semaphore, #tpu.memory_space<semaphore_mem>> -> memref<!tpu.dma_semaphore, #tpu.memory_space<semaphore_mem>>
    %dma_wait3A_117 = tpu.memref_slice %arg7[%mul3A_113, %mul3A_111] : memref<32000x1024xf32, #tpu.memory_space<hbm>> -> memref<160x128xf32, #tpu.memory_space<hbm>>
    tpu.wait_dma2 semaphore(%dma_wait3A_116 : memref<!tpu.dma_semaphore, #tpu.memory_space<semaphore_mem>>) src(%arg13 : memref<160x128xf32, #tpu.memory_space<vmem>>) dst(%dma_wait3A_117 : memref<160x128xf32, #tpu.memory_space<hbm>>)
    %add3A_118 = arith.constant 49 : i32
    %add3A_119 = arith.addi %mul3A_2, %add3A_118 : i32
    %jit3A_120 = arith.constant 8 : i32
    %div3A_121 = arith.divsi %add3A_119, %jit3A_120 : i32
    %sign3A_122 = arith.constant 0 : i32
    %sign3A_123 = arith.cmpi sgt, %add3A_119, %sign3A_122 : i32
    %sign3A_124 = arith.extui %sign3A_123 : i1 to i32
    %sign3A_125 = arith.constant 0 : i32
    %sign3A_126 = arith.cmpi slt, %add3A_119, %sign3A_125 : i32
    %sign3A_127 = arith.extui %sign3A_126 : i1 to i32
    %sign3A_128 = arith.subi %sign3A_124, %sign3A_127 : i32
    %sign3A_129 = arith.constant 0 : i32
    %sign3A_130 = arith.cmpi sgt, %jit3A_120, %sign3A_129 : i32
    %sign3A_131 = arith.extui %sign3A_130 : i1 to i32
    %sign3A_132 = arith.constant 0 : i32
    %sign3A_133 = arith.cmpi slt, %jit3A_120, %sign3A_132 : i32
    %sign3A_134 = arith.extui %sign3A_133 : i1 to i32
    %sign3A_135 = arith.subi %sign3A_131, %sign3A_134 : i32
    %ne3A_136 = arith.cmpi ne, %sign3A_128, %sign3A_135 : i32
    %rem3A_137 = arith.remsi %add3A_119, %jit3A_120 : i32
    %ne3A_138 = arith.constant 0 : i32
    %ne3A_139 = arith.cmpi ne, %rem3A_137, %ne3A_138 : i32
    %and3A_140 = arith.andi %ne3A_136, %ne3A_139 : i1
    %sub3A_141 = arith.constant 1 : i32
    %sub3A_142 = arith.subi %div3A_121, %sub3A_141 : i32
    %select_n3A_143 = arith.select %and3A_140, %sub3A_142, %div3A_121 : i32
    %jit3A_144 = arith.constant 8 : i32
    %eq3A_145 = arith.constant 0 : i32
    %eq3A_146 = arith.cmpi eq, %jit3A_144, %eq3A_145 : i32
    %jit3A_147 = arith.constant 1 : i32
    %select_n3A_148 = arith.select %eq3A_146, %jit3A_147, %jit3A_144 : i32
    %rem3A_149 = arith.remsi %add3A_119, %select_n3A_148 : i32
    %ne3A_150 = arith.constant 0 : i32
    %ne3A_151 = arith.cmpi ne, %rem3A_149, %ne3A_150 : i32
    %lt3A_152 = arith.constant 0 : i32
    %lt3A_153 = arith.cmpi slt, %rem3A_149, %lt3A_152 : i32
    %lt3A_154 = arith.constant 0 : i32
    %lt3A_155 = arith.cmpi slt, %select_n3A_148, %lt3A_154 : i32
    %ne3A_156 = arith.xori %lt3A_153, %lt3A_155 : i1
    %and3A_157 = arith.andi %ne3A_156, %ne3A_151 : i1
    %add3A_158 = arith.addi %rem3A_149, %select_n3A_148 : i32
    %select_n3A_159 = arith.select %and3A_157, %add3A_158, %rem3A_149 : i32
    %mul3A_160 = arith.constant 128 : i32
    %mul3A_161 = arith.muli %select_n3A_159, %mul3A_160 : i32
    %mul3A_162 = arith.constant 160 : i32
    %mul3A_163 = arith.muli %select_n3A_143, %mul3A_162 : i32
    %dma_wait3A_164 = arith.constant 1 : i32
    %dma_wait3A_165 = tpu.memref_slice %arg7[%mul3A_163, %mul3A_161] : memref<32000x1024xf32, #tpu.memory_space<hbm>> -> memref<160x128xf32, #tpu.memory_space<hbm>>
    %dma_wait3A_166 = tpu.memref_slice %arg20[%dma_wait3A_164] : memref<2x!tpu.dma_semaphore, #tpu.memory_space<semaphore_mem>> -> memref<1x!tpu.dma_semaphore, #tpu.memory_space<semaphore_mem>>
    %dma_wait3A_167 = tpu.memref_squeeze %dma_wait3A_166 : memref<1x!tpu.dma_semaphore, #tpu.memory_space<semaphore_mem>> -> memref<!tpu.dma_semaphore, #tpu.memory_space<semaphore_mem>>
    %dma_wait3A_168 = tpu.memref_slice %arg7[%mul3A_163, %mul3A_161] : memref<32000x1024xf32, #tpu.memory_space<hbm>> -> memref<160x128xf32, #tpu.memory_space<hbm>>
    tpu.wait_dma2 semaphore(%dma_wait3A_167 : memref<!tpu.dma_semaphore, #tpu.memory_space<semaphore_mem>>) src(%arg18 : memref<160x128xf32, #tpu.memory_space<vmem>>) dst(%dma_wait3A_168 : memref<160x128xf32, #tpu.memory_space<hbm>>)
    return
  }
}

</mosaic_0001>

<sc_bundles>
// kernel: _run.3.cloned.1.call-start
scs
__scs_entry_jumppad:
0x0: {  	(pc) =	sbr.rel $0x88, $3  }
0x1: {  	(tag) =	ssettag $0x0;
	lr =	simm.s32 $0x1  }
0x2: {  	[smem:$0x3F9C] =	sst lr;
	_ =	strace $0xD0000000  }
0x3: {  	_ = 	snop  }
0x4: {  	_ = 	snop  }
0x5: {  	_ = 	snop  }
0x6: {  	_ = 	snop  }
0x7: {  	_ = 	snop  }
__scs_overlays_trampoline_lowered:
0x8: {  	[smem:$0x3FAB] =	sst s0  }
0x9: {  	[smem:$0x3FAC] =	sst s1  }
0xa: {  	[smem:$0x3FAD] =	sst s2  }
0xb: {  	[smem:$0x3FAE] =	sst s3  }
0xc: {  	[smem:$0x3FAF] =	sst s4  }
0xd: {  	[smem:$0x3FB0] =	sst s5  }
0xe: {  	[smem:$0x3FB1] =	sst s6  }
0xf: {  	[smem:$0x3FB2] =	sst s7  }
0x10: {  	[smem:$0x3FB3] =	sst s8  }
0x11: {  	[smem:$0x3FB4] =	sst s9;
	s0 =	simm.s32 @!p0 $0x0  }
0x12: {  	s1 =	sld [smem:$0x3F9A];
	s0 =	simm.s32 @p0 $0x1  }
0x13: {  	[smem:$0x3FB5] =	sst s0;
	s0 =	simm.s32 @!p1 $0x0  }
0x14: {  	s2 =	sld [smem:$0x3F99];
	s0 =	simm.s32 @p1 $0x1  }
0x15: {  	[smem:$0x3FB6] =	sst s0;
	s0 =	simm.s32 @!p2 $0x0  }
0x16: {  	s3 =	sld [smem:$0x3FDB];
	s0 =	simm.s32 @p2 $0x1  }
0x17: {  	s4 =	simm.s32 $0x1BF5;
	[smem:$0x3FB8] =	sst s0  }
0x18: {  	s0 =	sld [smem:$0x3F9B];
	_ =	swait.ge [sflag:s4], $0x0  }
0x19: {  	s7 =	sld [smem:$0x3F9C]  }
0x1a: {  	s8 =	sadd.s32 $0xFFFFE003, lr  }
0x1b: {  	s9 =	sadd.s32 $0xFFFFFEF7, lr;
	s5 =	simm.s32 $0xFFFFFFFF;
	p2 =	slt.u32 s8, $0xFFFFF086  }
0x1c: {  	p1 =	slt.u32 s9, $0xF7A;
	s5 =	simm.s32 @!p2 $0x0  }
0x1d: {  	s5 =	simm.s32 @p1 $0x1;
	p0 =	seq.s32 s7, s2  }
0x1e: {  	s7 =	smul.u32 @!p0 $0xF7A, s2;
	p2 =	seq.s32 @!p0 s5, $0x0  }
0x1f: {  	s9 =	smul.u32 $0xF7A, s1;
	s8 =	simm.s32 @!p0 $0x1BF5;
	p2 =	por !p2, p0  }
0x20: {  	[sflag:s8] =	ssyncset.s32 @!p0 $0xFFFFF086;
	s6 =	sadd.s32 @!p0 s3, s7;
	s7 =	simm.s32 @!p0 $0x108  }
0x21: {  	s3 =	sadd.s32 s3, s9;
	s6 =	sadd.s32 @!p0 $0x88, s6;
	s7 =	simm.s32 @p2 $0x1082  }
0x22: {  	[simem:s7], [sflag:s8] =	dma.local @!p0 [hbm:s6], $0xF7A  }
0x23: {  	s9 =	sor.u32 $0xD0000000, s2;
	s6 =	simm.s32 $0x108;
	_ =	swait.ge @!p0 [sflag:s8], $0x0  }
0x24: {  	s3 =	sadd.s32 $0x88, s3;
	s6 =	simm.s32 @!p1 $0x1082;
	[sflag:s4] =	ssyncset.s32 $0xFFFFF086  }
0x25: {  	[simem:s6], [sflag:s4] =	dma.local [hbm:s3], $0xF7A  }
0x26: {  	[smem:$0x3F9C] =	sst s1;
	(tag) =	ssettag s2;
	_ =	strace s9  }
0x27: {  	s1 =	sld [smem:$0x3FAC]  }
0x28: {  	s2 =	sld [smem:$0x3FAD]  }
0x29: {  	s4 =	sld [smem:$0x3FAF]  }
0x2a: {  	p0 =	seq.s32 s5, $0x0;
	s5 =	sld [smem:$0x3FB0]  }
0x2b: {  	s6 =	sld [smem:$0x3FB1]  }
0x2c: {  	s7 =	sld [smem:$0x3FB2]  }
0x2d: {  	s3 =	simm.s32 $0x108;
	s8 =	sld [smem:$0x3FB3]  }
0x2e: {  	s3 =	simm.s32 @!p0 $0x1082;
	s9 =	sld [smem:$0x3FB4]  }
0x2f: {  	lr =	sadd.s32 s0, s3;
	s0 =	sld [smem:$0x3FAB]  }
0x30: {  	s3 =	sld [smem:$0x3FAE]  }
0x31: {  	[smem:$0x3FB7] =	sst s10  }
0x32: {  	s10 =	sld [smem:$0x3FB5];
	_ =	sdelay $0x3  }
0x33: {  	p0 =	seq.s32 s10, $0x1;
	s10 =	sld [smem:$0x3FB7];
	_ =	sdelay $0x3  }
0x34: {  	[smem:$0x3FB7] =	sst s10  }
0x35: {  	s10 =	sld [smem:$0x3FB6];
	_ =	sdelay $0x3  }
0x36: {  	p1 =	seq.s32 s10, $0x1;
	s10 =	sld [smem:$0x3FB7];
	_ =	sdelay $0x3  }
0x37: {  	[smem:$0x3FB7] =	sst s10  }
0x38: {  	s10 =	sld [smem:$0x3FB8]  }
0x39: {  	_ = 	snop;
	(pc) =	sbr.ind lr, $3  }
0x3a: {  	_ = 	snop  }
0x3b: {  	_ = 	snop  }
0x3c: {  	p2 =	seq.s32 s10, $0x1;
	s10 =	sld [smem:$0x3FB7]  }
0x3d: {  	_ =	shalt  }
0x3e: {  	_ =	shalt  }
0x3f: {  	_ =	shalt  }
0x40: {  	_ =	shalt  }
0x41: {  	_ =	shalt  }
0x42: {  	_ =	shalt  }
0x43: {  	_ =	shalt  }
0x44: {  	_ =	shalt  }
0x45: {  	_ =	shalt  }
0x46: {  	_ =	shalt  }
0x47: {  	_ =	shalt  }
0x48: {  	_ =	shalt  }
0x49: {  	_ =	shalt  }
0x4a: {  	_ =	shalt  }
0x4b: {  	_ =	shalt  }
0x4c: {  	_ =	shalt  }
0x4d: {  	_ =	shalt  }
0x4e: {  	_ =	shalt  }
0x4f: {  	_ =	shalt  }
0x50: {  	_ =	shalt  }
0x51: {  	_ =	shalt  }
0x52: {  	_ =	shalt  }
0x53: {  	_ =	shalt  }
0x54: {  	_ =	shalt  }
0x55: {  	_ =	shalt  }
0x56: {  	_ =	shalt  }
0x57: {  	_ =	shalt  }
0x58: {  	_ =	shalt  }
0x59: {  	_ =	shalt  }
0x5a: {  	_ =	shalt  }
0x5b: {  	_ =	shalt  }
0x5c: {  	_ =	shalt  }
0x5d: {  	_ =	shalt  }
0x5e: {  	_ =	shalt  }
0x5f: {  	_ =	shalt  }
0x60: {  	_ =	shalt  }
0x61: {  	_ =	shalt  }
0x62: {  	_ =	shalt  }
0x63: {  	_ =	shalt  }
0x64: {  	_ =	shalt  }
0x65: {  	_ =	shalt  }
0x66: {  	_ =	shalt  }
0x67: {  	_ =	shalt  }
0x68: {  	_ =	shalt  }
0x69: {  	_ =	shalt  }
0x6a: {  	_ =	shalt  }
0x6b: {  	_ =	shalt  }
0x6c: {  	_ =	shalt  }
0x6d: {  	_ =	shalt  }
0x6e: {  	_ =	shalt  }
0x6f: {  	_ =	shalt  }
0x70: {  	_ =	shalt  }
0x71: {  	_ =	shalt  }
0x72: {  	_ =	shalt  }
0x73: {  	_ =	shalt  }
0x74: {  	_ =	shalt  }
0x75: {  	_ =	shalt  }
0x76: {  	_ =	shalt  }
0x77: {  	_ =	shalt  }
0x78: {  	_ =	shalt  }
0x79: {  	_ =	shalt  }
0x7a: {  	_ =	shalt  }
0x7b: {  	_ =	shalt  }
0x7c: {  	_ =	shalt  }
0x7d: {  	_ =	shalt  }
0x7e: {  	_ =	shalt  }
0x7f: {  	_ =	shalt  }
0x80: {  	_ =	shalt  }
0x81: {  	_ =	shalt  }
0x82: {  	_ =	shalt  }
0x83: {  	_ =	shalt  }
0x84: {  	_ =	shalt  }
0x85: {  	_ =	shalt  }
0x86: {  	_ =	shalt  }
0x87: {  	_ =	shalt  }
.Lfunc_end0:
.L_simem_size_0:
called_computation_lowered:
.L_overlay_start_0:
0x88: {  	s2 =	sld [smem:$0x3FD9]  }
0x89: {  	s3 =	sld [smem:$0x3FFE];
	_ =	sdelay $0x1  }
0x8a: {  	s1 =	srdreg.scid  }
0x8b: {  	s0 =	sand.u32 $0x1, s1  }
0x8c: {  	s18 =	sshll.u32 s0, $0xA;
	s2 =	sadd.s32 s3, s2  }
0x8d: {  	s2 =	sadd.s32 s2, s18  }
0x8e: {  	[smem:$0x3FC3] =	sst s2  }
0x8f: {  	_ = 	snop  }
0x90: {  	s2 =	sld [smem:$0x3FC9]  }
0x91: {  	s19 =	sld [smem:$0x3FC8]  }
0x92: {  	s4 =	sld [smem:$0x3FC7]  }
0x93: {  	s5 =	sld [smem:$0x3FC6]  }
0x94: {  	s6 =	sld [smem:$0x3FC5]  }
0x95: {  	s7 =	sld [smem:$0x3FD0];
	(tm) =	ssettm $0x1  }
0x96: {  	s8 =	sld [smem:$0x3FFB];
	_ =	sdelay $0x3  }
0x97: {  	_ =	strace s8  }
0x98: {  	s8 =	sld [smem:$0x3FFC];
	_ =	sdelay $0x3  }
0x99: {  	_ =	strace s8  }
0x9a: {  	s8 =	sld [smem:$0x3FFD];
	_ =	sdelay $0x3  }
0x9b: {  	_ =	strace s8  }
0x9c: {  	_ =	strace $0x8FFFFFFF  }
0x9d: {  	s20 =	sld [smem:$0x3FDB];
	_ =	sdelay $0x1  }
0x9e: {  	s9 =	simm.s32 $_scs_section_size  }
0x9f: {  	s10 =	simm.s32 $_size__tile_overlayer_lowered;
	s11 =	simm.s32 $_tile_overlayer_lowered  }
0xa0: {  	s23 =	simm.s32 $0x1BFF;
	s22 =	sshll.u32 s11, $0x1;
	s8 =	sadd.s32 s9, s20  }
0xa1: {  	s12 =	simm.s32 $0x0;
	s21 =	sshll.u32 s10, $0x1;
	s10 =	sadd.s32 s22, s8  }
0xa2: {  	[timem:s12], [sflag:s23] =	dma.local [hbm:s10], s21  }
0xa3: {  	_ =	swait.ge [sflag:s23], s21  }
0xa4: {  	s9 =	ssub.s32 $0x0, s21;
	[sflag:s23] =	ssyncset.done $0x0  }
0xa5: {  	[sflag:s23] =	ssyncadd.s32 s9;
	_ =	sdelay $0x1  }
0xa6: {  	s24 =	simm.s32 $0x1B8B  }
0xa7: {  	_ =	swait.ge [sflag:s24], $0x1  }
0xa8: {  	[sflag:s24] =	ssyncset.done $0x0  }
0xa9: {  	s25 =	simm.s32 $0x1B8E;
	[sflag:s24] =	ssyncadd.s32 $0xFFFFFFFF  }
0xaa: {  	s26 =	simm.s32 $execute0_lowered;
	[smem:$0x3FD2] =	sst s25  }
0xab: {  	s9 =	sshll.u32 s26, $0x1;
	_ =	strace $0x80000046;
	[dreg:$0x1] =	wrdreg $0xFFFFFFFF  }
0xac: {  	s28 =	simm.s32 $_size_execute0_lowered;
	s8 =	sadd.s32 s8, s9;
	[dreg:$0x0] =	wrdreg $0x0  }
0xad: {  	s9 =	sshll.u32 s28, $0x1;
	[dreg:$0x2] =	wrdreg s8  }
0xae: {  	[dreg:$0x3] =	wrdreg s9  }
0xaf: {  	[dreg:$0x4] =	wrdreg $0xC0  }
0xb0: {  	_ =	task [dreg:s12], $0x5FFFF  }
0xb1: {  	[dreg:$0x1] =	wrdreg $0xFFFFFFFF  }
0xb2: {  	[dreg:$0x0] =	wrdreg $0x60  }
0xb3: {  	[dreg:$0x2] =	wrdreg s2  }
0xb4: {  	[dreg:$0x3] =	wrdreg s19  }
0xb5: {  	[dreg:$0x4] =	wrdreg s4  }
0xb6: {  	[dreg:$0x5] =	wrdreg s5  }
0xb7: {  	[dreg:$0x6] =	wrdreg s6  }
0xb8: {  	[dreg:$0x7] =	wrdreg s7  }
0xb9: {  	[dreg:$0x8] =	wrdreg $0x9  }
0xba: {  	_ =	task.clear_ibuf [dreg:s12], $0x9FFFF;
	_ =	strace $0x90000046  }
0xbb: {  	s29 =	simm.s32 $0x9;
	_ =	strace $0x80000048  }
0xbc: {  	_ =	swait.ge [sflag:s29], $0x1  }
0xbd: {  	[sflag:s29] =	ssyncadd.s32 $0xFFFFFFFF  }
0xbe: {  	_ =	strace $0x90000048  }
0xbf: {  	_ =	sfence  }
0xc0: {  	s30 =	sld [smem:$0x0];
	_ =	sdelay $0x2  }
0xc1: {  	s31 =	sshll.u32 s1, $0xD;
	s1 =	sshrl.u32 s1, $0x2  }
0xc2: {  	s3 =	sand.u32 $0x4000, s31;
	s1 =	sadd.s32 s1, s30  }
0xc3: {  	s0 =	sor.u32 s3, s0;
	s1 =	sshll.u32 s1, $0x11  }
0xc4: {  	s0 =	sor.u32 s1, s0  }
0xc5: {  	s0 =	sadd.s32 $0x8F2B, s0  }
0xc6: {  	[sflag:s0] =	ssyncadd.remote.s32 $0x1  }
0xc7: {  	_ =	sfence.sel $0xFFFF  }
0xc8: {  	[dreg:$0x0] =	wrdreg $0xFFFFFFFF;
	(pc) =	sbr.abs _section_cstart, $3  }
0xc9: {  	[dreg:$0x1] =	wrdreg $0xFFFFFFFF  }
0xca: {  	_ =	task.clear_ibuf [dreg:s12], $0x2FFFF;
	_ =	strace $0x9FFFFFFF  }
0xcb: {  	(tm) =	ssettm $0x7FFFFFFF  }
tec
execute0_lowered:
.L_overlay_start_1:
0x0: {  	(tag) =	ssettag $0x1  }
0x1: {  	s1 =	rddreg [dreg:$0x0]  }
0x2: {  	s2 =	rddreg [dreg:$0x1]  }
0x3: {  	s3 =	rddreg [dreg:$0x2]  }
0x4: {  	s0 =	srdreg.scid;
	s4 =	rddreg [dreg:$0x3]  }
0x5: {  	s5 =	stileid.u32;
	s7 =	rddreg [dreg:$0x5]  }
0x6: {  	s9 =	simm.s32 $0x0;
	s0 =	sand.u32 $0x1, s0;
	s5 =	sshll.u32 s5, $0x1  }
0x7: {  	s20 =	simm.s32 $0x400;
	[smem:$0x7FF] =	sst s9;
	s5 =	sor.u32 s0, s5  }
0x8: {  	s0 =	ssub.s32 $0x2, s0;
	s8 =	smul.u32 $0x32, s5;
	s5 =	sshll.u32 s5, $0xB  }
0x9: {  	_ =	strace $0x80000047;
	s26 =	sshrl.u32 s0, $0x1;
	s11 =	sand.u32 $0x1800, s5  }
0xa: {  	s6 =	sshll.u32 s8, $0x7;
	s10 =	sshll.u32 s8, $0x4;
	s25 =	sshll.u32 s8, $0xD  }
0xb: {  	s6 =	sand.u32 $0x3E000, s6;
	s10 =	sand.u32 $0x380, s10;
	s5 =	sor.u32 s5, s25  }
0xc: {  	s0 =	ssub.s32 s0, s26;
	s6 =	sor.u32 s6, s10;
	s5 =	sand.u32 $0xFF1800, s5  }
0xd: {  	s0 =	smax.u32 s0, $0x1;
	s6 =	sor.u32 s11, s6;
	s5 =	sshrl.u32 s5, $0x3  }
0xe: {  	[dreg:$0xb] =	wrdreg s0;
	s6 =	sshrl.u32 s6, $0x3;
	s5 =	sadd.s32 s1, s5  }
0xf: {  	s21 =	simm.s32 $0x2000;
	s29 =	sadd.s32 s2, s6;
	[dreg:$0xa] =	wrdreg s5  }
0x10: {  	s28 =	simm.s32 $0x1;
	s31 =	sadd.s32 s3, s6;
	[dreg:$0x7] =	wrdreg s29  }
0x11: {  	s30 =	simm.s32 $0x2;
	s6 =	sadd.s32 s4, s6;
	[dreg:$0x8] =	wrdreg s31  }
0x12: {  	v0 =	vimm.f32 $0.0e+00;
	s14 =	sadd.s32 $0x2, s8;
	[dreg:$0x9] =	wrdreg s6;
	s6 =	simm.s32 $0x0  }
.LBB2_1:
0x13: {  	[dreg:$0xc] =	wrdreg s6  }
0x14: {  	s0 =	rddreg [dreg:$0x4];
	s19 =	simm.s32 $0x5  }
0x15: {  	[tilespmem:s9], [sflag:$0x5] =	stream.linear.gather [hbm4b:s0+s9], $0x1800, $0x38;
	[tilespmem:$0xFB00] =	vst v63  }
0x16: {  	_ =	swait.ge [sflag:s19], $0x1800  }
0x17: {  	[sflag:s19] =	ssyncset.done $0x0  }
0x18: {  	s5 =	simm.s32 $0x1800;
	s22 =	rddreg [dreg:$0x7];
	[sflag:s19] =	ssyncadd.s32 $0xFFFFE800  }
0x19: {  	[tilespmem:s5], [sflag:$0x1] =	stream.linear.gather [hbm4b:s22+s9], $0x80, $0x38;
	[tilespmem:$0xFB00] =	vst v63  }
0x1a: {  	s24 =	simm.s32 $0x1880;
	s23 =	rddreg [dreg:$0x8]  }
0x1b: {  	[tilespmem:s24], [sflag:$0x1] =	stream.linear.gather [hbm4b:s23+s9], $0x80, $0x38;
	[tilespmem:$0xFB00] =	vst v63  }
0x1c: {  	s26 =	simm.s32 $0x1900;
	s25 =	rddreg [dreg:$0x9]  }
0x1d: {  	[tilespmem:s26], [sflag:$0x1] =	stream.linear.gather [hbm4b:s25+s9], $0x80, $0x38;
	[tilespmem:$0xFB00] =	vst v63  }
0x1e: {  	s31 =	simm.s32 $0x1980;
	s17 =	simm.s32 $0x0;
	s29 =	rddreg [dreg:$0xa]  }
0x1f: {  	[tilespmem:s31], [sflag:$0x1] =	stream.strided.gather [hbm4b:s29+s20], $0x2000, s21, s20, $0x38;
	[tilespmem:$0xFB00] =	vst v63  }
.LBB2_2:
0x20: {  	s22 =	sshll.u32 s17, $0x1  }
0x21: {  	s10 =	sadd.s32 s8, s22  }
0x22: {  	s0 =	sadd.s32 $0x1, s10  }
0x23: {  	s5 =	sshll.u32 s0, $0x7;
	s6 =	sshll.u32 s0, $0x4  }
0x24: {  	s11 =	sshll.u32 s0, $0xA;
	s5 =	sand.u32 $0x7FFFE000, s5;
	s6 =	sand.u32 $0x380, s6  }
0x25: {  	s18 =	sand.u32 $0x1C00, s11;
	s5 =	sor.u32 s5, s6  }
0x26: {  	s5 =	sor.u32 s18, s5  }
0x27: {  	s5 =	sshrl.u32 s5, $0x3  }
0x28: {  	s19 =	simm.s32 $0x8980;
	s16 =	sadd.s32 s2, s5  }
0x29: {  	[tilespmem:s19], [sflag:$0x2] =	stream.linear.gather [hbm4b:s16+s9], $0x80, $0x38;
	[tilespmem:$0xFB00] =	vst v63  }
0x2a: {  	s19 =	sshrl.u32 s0, $0x3  }
0x2b: {  	s24 =	simm.s32 $0x8A00;
	s23 =	sadd.s32 s3, s5;
	s29 =	sshll.u32 s19, $0x10  }
0x2c: {  	[tilespmem:s24], [sflag:$0x2] =	stream.linear.gather [hbm4b:s23+s9], $0x80, $0x38;
	[tilespmem:$0xFB00] =	vst v63  }
0x2d: {  	s0 =	sor.u32 s18, s29  }
0x2e: {  	s26 =	simm.s32 $0x8A80;
	s25 =	sadd.s32 s4, s5;
	s0 =	sshrl.u32 s0, $0x3  }
0x2f: {  	[tilespmem:s26], [sflag:$0x2] =	stream.linear.gather [hbm4b:s25+s9], $0x80, $0x38;
	[tilespmem:$0xFB00] =	vst v63  }
0x30: {  	s31 =	simm.s32 $0x8B00;
	s0 =	sadd.s32 s1, s0  }
0x31: {  	[tilespmem:s31], [sflag:$0x2] =	stream.strided.gather [hbm4b:s0+s20], $0x2000, s21, s20, $0x38;
	[tilespmem:$0xFB00] =	vst v63  }
0x32: {  	_ =	swait.ge [sflag:s28], $0x80  }
0x33: {  	[sflag:s28] =	ssyncset.done $0x0  }
0x34: {  	[sflag:s28] =	ssyncadd.s32 $0xFFFFFF80  }
0x35: {  	_ =	swait.ge [sflag:s28], $0x80  }
0x36: {  	[sflag:s28] =	ssyncset.done $0x0  }
0x37: {  	[sflag:s28] =	ssyncadd.s32 $0xFFFFFF80  }
0x38: {  	_ =	swait.ge [sflag:s28], $0x80  }
0x39: {  	[sflag:s28] =	ssyncset.done $0x0  }
0x3a: {  	[sflag:s28] =	ssyncadd.s32 $0xFFFFFF80  }
0x3b: {  	_ =	swait.ge [sflag:s28], $0x2000  }
0x3c: {  	p0 =	seq.s32 s17, $0x0;
	[sflag:s28] =	ssyncset.done $0x0  }
0x3d: {  	s0 =	simm.s32 @!p0 $0x3;
	[sflag:s28] =	ssyncadd.s32 $0xFFFFE000  }
0x3e: {  	s12 =	simm.s32 $0x0;
	s15 =	simm.s32 $0x1A80;
	_ =	swait.ge @!p0 [sflag:s0], $0x5000  }
0x3f: {  	s11 =	sshrl.u32 s10, $0x3;
	s5 =	simm.s32 $0x0;
	[sflag:s0] =	ssyncset.done @!p0 $0x0  }
0x40: {  	s16 =	simm.s32 $0x7B00;
	s23 =	simm.s32 $0x3A80;
	[sflag:s0] =	ssyncadd.s32 @!p0 $0xFFFFB000  }
.LBB2_3:
0x41: {  	s0 =	sshll.u32 s5, $0x4  }
0x42: {  	v3 =	vld [tilespmem:s0+$0x1800];
	_ =	sdelay $0x2  }
0x43: {  	v2 =	vld [tilespmem:s0+$0x1880]  }
0x44: {  	s25 =	simm.s32 $0x120;
	v1 =	vld [tilespmem:s0+$0x1900]  }
0x45: {  	s6 =	simm.s32 $0x60;
	v15 =	vld [tilespmem:s15+$0x80];
	v6 =	vadd.s32 s25, v3  }
0x46: {  	s26 =	simm.s32 $0xC0;
	v22 =	vld [tilespmem:s15+$0xFFFFFF00];
	v8 =	vadd.s32 s6, v3  }
0x47: {  	v24 =	vld [tilespmem:s15+$0xFFFFFF80];
	v11 =	vadd.s32 s26, v3  }
0x48: {  	v26 =	vld [tilespmem:s15+$0x0];
	v4 =	vadd.s32 $0x20, v2  }
0x49: {  	v5 =	vadd.s32 $0x40, v1;
	v16 =	vld.idx.msk [tilespmem:v3+s12+$0x0], $0xffff  }
0x4a: {  	v7 =	vadd.s32 s25, v4;
	v6 =	vld.idx.msk [tilespmem:v6+s12+$0x0], $0xffff  }
0x4b: {  	v10 =	vadd.s32 s6, v4;
	v8 =	vld.idx.msk [tilespmem:v8+s12+$0x0], $0xffff  }
0x4c: {  	v12 =	vadd.s32 s26, v4;
	v11 =	vld.idx.msk [tilespmem:v11+s12+$0x0], $0xffff  }
0x4d: {  	v9 =	vadd.s32 s25, v5;
	v17 =	vld.idx.msk [tilespmem:v4+s12+$0x0], $0xffff  }
0x4e: {  	s29 =	simm.s32 $0x2A0;
	v13 =	vadd.s32 s6, v5;
	v20 =	vld.idx.msk [tilespmem:v5+s12+$0x0], $0xffff  }
0x4f: {  	v18 =	vadd.s32 s29, v3;
	v7 =	vld.idx.msk [tilespmem:v7+s12+$0x0], $0xffff  }
0x50: {  	v14 =	vadd.s32 s26, v5;
	v10 =	vld.idx.msk [tilespmem:v10+s12+$0x0], $0xffff  }
0x51: {  	v19 =	vadd.s32 s29, v4;
	v12 =	vld.idx.msk [tilespmem:v12+s12+$0x0], $0xffff  }
0x52: {  	s13 =	simm.s32 $0x1E0;
	v23 =	vadd.s32 s29, v5;
	v9 =	vld.idx.msk [tilespmem:v9+s12+$0x0], $0xffff  }
0x53: {  	s31 =	simm.s32 $0x240;
	v21 =	vadd.s32 s13, v3;
	v13 =	vld.idx.msk [tilespmem:v13+s12+$0x0], $0xffff  }
0x54: {  	v61 =	vadd.s32 s31, v4;
	v18 =	vld.idx.msk [tilespmem:v18+s12+$0x0], $0xffff  }
0x55: {  	v28 =	vadd.s32 s31, v3;
	v14 =	vld.idx.msk [tilespmem:v14+s12+$0x0], $0xffff;
	v27 =	vadd.f32 v7, v6  }
0x56: {  	v25 =	vadd.s32 s13, v4;
	v19 =	vld.idx.msk [tilespmem:v19+s12+$0x0], $0xffff;
	v10 =	vadd.f32 v10, v8;
	v11 =	vadd.f32 v12, v11  }
0x57: {  	v23 =	vld.idx.msk [tilespmem:v23+s12+$0x0], $0xffff;
	v6 =	vadd.s32 $0x180, v3;
	v12 =	vadd.f32 v17, v16;
	v9 =	vadd.f32 v9, v27  }
0x58: {  	v7 =	vadd.s32 $0x1A0, v2;
	v8 =	vld.idx.msk [tilespmem:v21+s12+$0x0], $0xffff;
	v21 =	vadd.s32 s12, v6;
	v10 =	vadd.f32 v13, v10  }
0x59: {  	s6 =	sadd.s32 $0x200, s15;
	v17 =	vld.idx.msk [tilespmem:v61+s12+$0x0], $0xffff;
	v29 =	vadd.s32 s12, v7;
	v12 =	vadd.f32 v20, v12;
	v13 =	vmul.f32 v9, v15  }
0x5a: {  	v20 =	vld [tilespmem:s6+$0x80];
	v15 =	vadd.f32 v14, v11;
	v16 =	vmul.f32 v10, v24  }
0x5b: {  	v63 =	vadd.f32 v19, v18;
	v19 =	vadd.s32 s13, v5;
	v11 =	vld.idx.msk [tilespmem:v25+s12+$0x0], $0xffff;
	v22 =	vmul.f32 v12, v22;
	[tilespmem:s23+$0x80] =	vst v13  }
0x5c: {  	s24 =	simm.s32 $0x180;
	v14 =	vld.idx.msk [tilespmem:v28+s12+$0x0], $0xffff;
	v9 =	vadd.s32 $0x1C0, v1;
	v62 =	vmul.f32 v15, v26;
	[tilespmem:s23+$0xFFFFFF80] =	vst v16;
	v16 =	vadd.s32 s31, v5  }
0x5d: {  	s0 =	simm.s32 $0x0;
	v12 =	vadd.s32 s24, v6;
	v10 =	vadd.s32 s12, v9;
	v18 =	vld.idx.msk [tilespmem:v21+s12+$0x0], $0xffff;
	[tilespmem:s23+$0xFFFFFF00] =	vst v22  }
0x5e: {  	s25 =	simm.s32 $0x300;
	s13 =	smov.u32 s23;
	v13 =	vadd.s32 s24, v7;
	v15 =	vadd.s32 s24, v9;
	s24 =	simm.s32 $0x4;
	v21 =	vld.idx.msk [tilespmem:v29+s12+$0x0], $0xffff;
	v22 =	vadd.f32 v23, v63;
	[tilespmem:s23+$0x0] =	vst v62  }
.LBB2_4:
0x5f: {  	v24 =	vmov v12  }
0x60: {  	s26 =	sadd.s32 $0x60, s25;
	s29 =	sadd.s32 $0xC0, s25;
	s31 =	sadd.s32 $0x120, s25;
	v23 =	vld.idx.msk [tilespmem:v19+s0+$0x0], $0xffff;
	v12 =	vadd.s32 s25, v6;
	v25 =	vmovc v13;
	v13 =	vadd.s32 s25, v7;
	v19 =	vmovc v15;
	v15 =	vadd.s32 s25, v9  }
0x61: {  	s24 =	sadd.s32 $0x4, s24;
	v26 =	vadd.s32 s26, v3;
	v27 =	vadd.s32 s31, v3;
	v28 =	vld.idx.msk [tilespmem:v16+s0+$0x0], $0xffff;
	v20 =	vmul.f32 v22, v20  }
0x62: {  	s13 =	sadd.s32 $0x200, s13;
	v22 =	vadd.s32 s26, v4;
	v29 =	vadd.s32 s29, v3;
	v30 =	vadd.s32 s31, v4;
	p1 =	slt.u32 s24, $0x3C;
	v31 =	vld.idx.msk [tilespmem:v10+s0+$0x0], $0xffff;
	v10 =	vmovc v19  }
0x63: {  	v32 =	vadd.s32 s29, v4;
	v16 =	vadd.s32 s29, v5;
	v19 =	vadd.s32 s26, v5;
	v33 =	vld [tilespmem:s6+$0xFFFFFF00];
	[tilespmem:s13+$0x80] =	vst v20  }
0x64: {  	v8 =	vadd.f32 v11, v8;
	v11 =	vadd.f32 v17, v14;
	v20 =	vadd.s32 s31, v5;
	v34 =	vld [tilespmem:s6+$0xFFFFFF80]  }
0x65: {  	s0 =	simm.s32 $0x0;
	v14 =	vadd.f32 v21, v18;
	v17 =	vld [tilespmem:s6+$0x0]  }
0x66: {  	v21 =	vadd.f32 v23, v8;
	v18 =	vld.idx.msk [tilespmem:v27+s0+$0x0], $0xffff  }
0x67: {  	v27 =	vadd.f32 v28, v11;
	v23 =	vld.idx.msk [tilespmem:v30+s0+$0x0], $0xffff  }
0x68: {  	v14 =	vadd.f32 v31, v14;
	v8 =	vld.idx.msk [tilespmem:v26+s0+$0x0], $0xffff  }
0x69: {  	v26 =	vld.idx.msk [tilespmem:v20+s0+$0x0], $0xffff;
	v20 =	vmul.f32 v21, v34  }
0x6a: {  	v21 =	vmul.f32 v14, v33;
	v11 =	vld.idx.msk [tilespmem:v22+s0+$0x0], $0xffff;
	v17 =	vmul.f32 v27, v17  }
.Ltmp0:
0x6b: {  	s6 =	sadd.s32 $0x200, s6;
	v14 =	vld.idx.msk [tilespmem:v29+s0+$0x0], $0xffff;
	[tilespmem:s13+$0xFFFFFF80] =	vst v20;
	(pc) =	sbr.rel @p1 .LBB2_4-.Ltmp0, $4  }
0x6c: {  	v20 =	vld [tilespmem:s6+$0x80];
	[tilespmem:s13+$0x0] =	vst v17  }
0x6d: {  	v22 =	vadd.f32 v23, v18;
	v17 =	vld.idx.msk [tilespmem:v32+s0+$0x0], $0xffff;
	[tilespmem:s13+$0xFFFFFF00] =	vst v21  }
0x6e: {  	v18 =	vld.idx.msk [tilespmem:v24+s0+$0x0], $0xffff  }
0x6f: {  	s25 =	sadd.s32 $0x180, s25;
	v22 =	vadd.f32 v26, v22;
	v21 =	vld.idx.msk [tilespmem:v25+s0+$0x0], $0xffff  }
0x70: {  	_ =	sdelay $0x3  }
0x71: {  	v4 =	vld.idx.msk [tilespmem:v19+s0+$0x0], $0xffff  }
0x72: {  	v5 =	vld.idx.msk [tilespmem:v16+s0+$0x0], $0xffff  }
0x73: {  	v6 =	vld.idx.msk [tilespmem:v10+s0+$0x0], $0xffff  }
0x74: {  	v7 =	vld [tilespmem:s6+$0xFFFFFF80]  }
0x75: {  	v8 =	vadd.f32 v11, v8;
	v9 =	vld [tilespmem:s6+$0x0]  }
0x76: {  	v62 =	vld [tilespmem:s6+$0xFFFFFF00];
	v61 =	vadd.f32 v17, v14  }
0x77: {  	v12 =	vadd.f32 v21, v18;
	v4 =	vadd.f32 v4, v8  }
0x78: {  	v63 =	vmul.f32 v22, v20;
	v5 =	vadd.f32 v5, v61  }
0x79: {  	s26 =	sadd.s32 $0x200, s13;
	v6 =	vadd.f32 v6, v12;
	v4 =	vmul.f32 v4, v7  }
0x7a: {  	[tilespmem:s26+$0x80] =	vst v63;
	v5 =	vmul.f32 v5, v9  }
0x7b: {  	s29 =	simm.s32 $0x3;
	v6 =	vmul.f32 v6, v62;
	[tilespmem:s26+$0xFFFFFF80] =	vst v4  }
0x7c: {  	s24 =	simm.s32 $0x1;
	vm0 =	veq.s32 v1, s29;
	[tilespmem:s26+$0x0] =	vst v5  }
0x7d: {  	vm1 =	veq.s32 v3, s24;
	v4 =	vsel vm0, $0x3F800000, v0;
	[tilespmem:s26+$0xFFFFFF00] =	vst v6  }
0x7e: {  	v5 =	vsel vm1, $0x3F800000, v0;
	vm0 =	veq.s32 v2, s24;
	[tilespmem:s16+$0x0] =	vst v4  }
0x7f: {  	vm1 =	veq.s32 v3, s29;
	[tilespmem:s16+$0xFFFFDF00] =	vst v5;
	v4 =	vsel vm0, $0x3F800000, v0  }
0x80: {  	s31 =	simm.s32 $0x2;
	vm0 =	veq.s32 v1, s24;
	v5 =	vsel vm1, $0x3F800000, v0;
	[tilespmem:s16+$0xFFFFEF00] =	vst v4  }
0x81: {  	v4 =	vsel vm0, $0x3F800000, v0;
	vm0 =	veq.s32 v3, s31;
	[tilespmem:s16+$0xFFFFE000] =	vst v5  }
0x82: {  	[tilespmem:s16+$0xFFFFFF00] =	vst v4;
	v4 =	vsel vm0, $0x3F800000, v0;
	vm0 =	veq.s32 v2, s31  }
0x83: {  	[tilespmem:s16+$0xFFFFDF80] =	vst v4;
	v4 =	vsel vm0, $0x3F800000, v0;
	vm0 =	veq.s32 v1, s31  }
0x84: {  	[tilespmem:s16+$0xFFFFEF80] =	vst v4;
	v4 =	vsel vm0, $0x3F800000, v0;
	vm0 =	veq.s32 v2, s29  }
0x85: {  	[tilespmem:s16+$0xFFFFFF80] =	vst v4;
	v4 =	vsel vm0, $0x3F800000, v0;
	vm0 =	veq.s32 v3, s0  }
0x86: {  	vm2 =	veq.s32 v1, s0;
	s25 =	simm.s32 $0x7;
	s24 =	simm.s32 $0x5;
	vm1 =	veq.s32 v2, s0;
	v5 =	vsel vm0, $0x3F800000, v0;
	[tilespmem:s16+$0xFFFFF000] =	vst v4  }
0x87: {  	s13 =	simm.s32 $0x8;
	s6 =	smov.u32 s16;
	s0 =	simm.s32 $0x4;
	vm0 =	veq.s32 v3, s24;
	v4 =	vsel vm2, $0x3F800000, v0;
	[tilespmem:s16+$0xFFFFDE80] =	vst v5;
	v5 =	vsel vm1, $0x3F800000, v0  }
.LBB2_6:
0x88: {  	p1 =	slt.u32 s13, $0x1C;
	vm1 =	veq.s32 v3, s25;
	vm2 =	veq.s32 v2, s25;
	vm3 =	veq.s32 v1, s25;
	[tilespmem:s6+$0xFFFFEE80] =	vst v5  }
0x89: {  	v5 =	vsel vm1, $0x3F800000, v0;
	v6 =	vsel vm2, $0x3F800000, v0;
	v7 =	vsel vm3, $0x3F800000, v0;
	[tilespmem:s6+$0xFFFFFE80] =	vst v4;
	s6 =	sadd.s32 $0x200, s6  }
0x8a: {  	v4 =	vsel vm0, $0x3F800000, v0;
	vm0 =	veq.s32 v2, s24;
	[tilespmem:s6+$0x0] =	vst v7  }
0x8b: {  	[tilespmem:s6+$0xFFFFDF00] =	vst v4;
	v4 =	vsel vm0, $0x3F800000, v0;
	vm0 =	veq.s32 v1, s24;
	s24 =	sadd.s32 $0x2, s0  }
0x8c: {  	[tilespmem:s6+$0xFFFFEF00] =	vst v4;
	v4 =	vsel vm0, $0x3F800000, v0;
	vm0 =	veq.s32 v3, s24  }
0x8d: {  	[tilespmem:s6+$0xFFFFFF00] =	vst v4;
	v4 =	vsel vm0, $0x3F800000, v0;
	vm0 =	veq.s32 v2, s24  }
0x8e: {  	[tilespmem:s6+$0xFFFFDF80] =	vst v4;
	v4 =	vsel vm0, $0x3F800000, v0;
	vm0 =	veq.s32 v1, s24  }
.Ltmp1:
0x8f: {  	[tilespmem:s6+$0xFFFFEF80] =	vst v4;
	v4 =	vsel vm0, $0x3F800000, v0;
	(pc) =	sbr.rel @p1 .LBB2_6-.Ltmp1, $4  }
0x90: {  	[tilespmem:s6+$0xFFFFFF80] =	vst v4  }
0x91: {  	vm0 =	veq.s32 v3, s0;
	[tilespmem:s6+$0xFFFFE000] =	vst v5  }
0x92: {  	vm1 =	veq.s32 v2, s0;
	vm2 =	veq.s32 v1, s0;
	s24 =	sadd.s32 $0x1, s13;
	s0 =	smov.u32 s13;
	v4 =	vsel vm0, $0x3F800000, v0;
	[tilespmem:s6+$0xFFFFF000] =	vst v6  }
0x93: {  	s13 =	sadd.s32 $0x4, s13;
	vm0 =	veq.s32 v3, s24;
	s25 =	sadd.s32 $0x3, s0;
	v5 =	vsel vm1, $0x3F800000, v0;
	[tilespmem:s6+$0xFFFFDE80] =	vst v4;
	v4 =	vsel vm2, $0x3F800000, v0  }
0x94: {  	[tilespmem:s6+$0xFFFFEE80] =	vst v5  }
0x95: {  	vm1 =	veq.s32 v1, s25;
	[tilespmem:s6+$0xFFFFFE80] =	vst v4;
	s31 =	sadd.s32 $0x200, s6;
	v56 =	vsel vm0, $0x3F800000, v0  }
0x96: {  	vm6 =	veq.s32 v2, s24;
	v55 =	vsel vm1, $0x3F800000, v0;
	[tilespmem:s31+$0xFFFFDF00] =	vst v56  }
0x97: {  	vm7 =	veq.s32 v1, s24;
	v57 =	vsel vm6, $0x3F800000, v0;
	[tilespmem:s31+$0x0] =	vst v55  }
0x98: {  	vm11 =	veq.s32 v3, s25;
	v58 =	vsel vm7, $0x3F800000, v0;
	[tilespmem:s31+$0xFFFFEF00] =	vst v57  }
0x99: {  	vm12 =	veq.s32 v2, s25;
	v62 =	vsel vm11, $0x3F800000, v0;
	[tilespmem:s31+$0xFFFFFF00] =	vst v58  }
0x9a: {  	s13 =	sadd.s32 $0x2, s0;
	vm13 =	veq.s32 v3, s0;
	v63 =	vsel vm12, $0x3F800000, v0;
	[tilespmem:s31+$0xFFFFE000] =	vst v62  }
0x9b: {  	vm14 =	veq.s32 v2, s0;
	s5 =	sadd.s32 $0x1, s5;
	vm8 =	veq.s32 v3, s13;
	v3 =	vsel vm13, $0x3F800000, v0;
	[tilespmem:s31+$0xFFFFF000] =	vst v63  }
0x9c: {  	vm15 =	veq.s32 v1, s0;
	vm10 =	veq.s32 v1, s13;
	v1 =	vsel vm14, $0x3F800000, v0;
	p1 =	sne.s32 s5, $0x8;
	[tilespmem:s31+$0xFFFFDE80] =	vst v3  }
.Ltmp2:
0x9d: {  	vm9 =	veq.s32 v2, s13;
	v2 =	vsel vm15, $0x3F800000, v0;
	[tilespmem:s31+$0xFFFFEE80] =	vst v1;
	(pc) =	sbr.rel @p1 .LBB2_3-.Ltmp2, $4  }
0x9e: {  	v59 =	vsel vm8, $0x3F800000, v0;
	[tilespmem:s31+$0xFFFFFE80] =	vst v2  }
0x9f: {  	v60 =	vsel vm9, $0x3F800000, v0;
	[tilespmem:s31+$0xFFFFDF80] =	vst v59  }
0xa0: {  	v61 =	vsel vm10, $0x3F800000, v0;
	[tilespmem:s31+$0xFFFFEF80] =	vst v60  }
0xa1: {  	s23 =	sadd.s32 $0x10, s23;
	s15 =	sadd.s32 $0x10, s15;
	s16 =	sadd.s32 $0x10, s16;
	[tilespmem:s31+$0xFFFFFF80] =	vst v61  }
0xa2: {  	s0 =	smul.u32 $0x28000, s11;
	s5 =	sshll.u32 s10, $0xA  }
0xa3: {  	s5 =	sand.u32 $0x1800, s5  }
0xa4: {  	s0 =	sor.u32 s5, s0  }
0xa5: {  	s0 =	sshrl.u32 s0, $0x3  }
0xa6: {  	s31 =	simm.s32 $0x3980;
	p1 =	seq.s32 s17, $0x18;
	s0 =	sadd.s32 s7, s0  }
0xa7: {  	[hbm4b:s0+s20] =	stream.strided.scatter [tilespmem:s31], [sflag:$0x3], $0x5000, s21, s20, $0x38;
	[tilespmem:$0xFB00] =	vst v63  }
0xa8: {  	s0 =	sadd.s32 @!p1 s22, s14  }
0xa9: {  	s5 =	sshll.u32 @!p1 s0, $0x7;
	s6 =	sshll.u32 @!p1 s0, $0x4  }
0xaa: {  	s10 =	sshll.u32 @!p1 s0, $0xA;
	s5 =	sand.u32 @!p1 $0x7FFFE000, s5;
	s6 =	sand.u32 @!p1 $0x380, s6  }
0xab: {  	s10 =	sand.u32 @!p1 $0x1800, s10;
	s5 =	sor.u32 @!p1 s5, s6  }
0xac: {  	s0 =	sshll.u32 @!p1 s0, $0xD;
	s5 =	sor.u32 @!p1 s10, s5  }
0xad: {  	s11 =	simm.s32 @!p1 $0x0;
	s0 =	sand.u32 @!p1 $0xFFFF0000, s0;
	s5 =	sshrl.u32 @!p1 s5, $0x3  }
0xae: {  	s12 =	simm.s32 @!p1 $0x1800;
	s0 =	sor.u32 @!p1 s10, s0;
	s6 =	sadd.s32 @!p1 s2, s5  }
0xaf: {  	[tilespmem:s12], [sflag:$0x1] =	stream.linear.gather @!p1 [hbm4b:s6+s11], $0x80, $0x38;
	[tilespmem:$0xFB00] =	vst v63  }
0xb0: {  	s0 =	sshrl.u32 @!p1 s0, $0x3;
	s6 =	sadd.s32 @!p1 s3, s5;
	s12 =	simm.s32 @!p1 $0x1880  }
0xb1: {  	[tilespmem:s12], [sflag:$0x1] =	stream.linear.gather @!p1 [hbm4b:s6+s11], $0x80, $0x38;
	[tilespmem:$0xFB00] =	vst v63  }
0xb2: {  	s10 =	simm.s32 @!p1 $0x1980;
	s5 =	sadd.s32 @!p1 s4, s5;
	s6 =	simm.s32 @!p1 $0x1900  }
0xb3: {  	[tilespmem:s6], [sflag:$0x1] =	stream.linear.gather @!p1 [hbm4b:s5+s11], $0x80, $0x38;
	[tilespmem:$0xFB00] =	vst v63  }
0xb4: {  	s0 =	sadd.s32 @!p1 s1, s0;
	s5 =	simm.s32 @!p1 $0x400;
	s6 =	simm.s32 @!p1 $0x2000  }
0xb5: {  	[tilespmem:s10], [sflag:$0x1] =	stream.strided.gather @!p1 [hbm4b:s0+s5], $0x2000, s6, s5, $0x38;
	[tilespmem:$0xFB00] =	vst v63  }
0xb6: {  	_ =	swait.ge [sflag:s30], $0x80  }
0xb7: {  	[sflag:s30] =	ssyncset.done $0x0  }
0xb8: {  	[sflag:s30] =	ssyncadd.s32 $0xFFFFFF80  }
0xb9: {  	_ =	swait.ge [sflag:s30], $0x80  }
0xba: {  	[sflag:s30] =	ssyncset.done $0x0  }
0xbb: {  	[sflag:s30] =	ssyncadd.s32 $0xFFFFFF80  }
0xbc: {  	_ =	swait.ge [sflag:s30], $0x80  }
0xbd: {  	[sflag:s30] =	ssyncset.done $0x0  }
0xbe: {  	[sflag:s30] =	ssyncadd.s32 $0xFFFFFF80  }
0xbf: {  	_ =	swait.ge [sflag:s30], $0x2000  }
0xc0: {  	[sflag:s30] =	ssyncset.done $0x0  }
0xc1: {  	s0 =	simm.s32 @!p0 $0x4;
	[sflag:s30] =	ssyncadd.s32 $0xFFFFE000  }
0xc2: {  	s13 =	simm.s32 $0xEC80;
	_ =	swait.ge @!p0 [sflag:s0], $0x5000  }
0xc3: {  	s12 =	simm.s32 $0x8C00;
	s11 =	simm.s32 $0xAC00;
	[sflag:s0] =	ssyncset.done @!p0 $0x0  }
0xc4: {  	s10 =	simm.s32 $0x0;
	s5 =	simm.s32 $0x0;
	[sflag:s0] =	ssyncadd.s32 @!p0 $0xFFFFB000  }
.LBB2_9:
0xc5: {  	s0 =	sshll.u32 s5, $0x4  }
0xc6: {  	v3 =	vld [tilespmem:s0+$0x8980];
	_ =	sdelay $0x2  }
0xc7: {  	v2 =	vld [tilespmem:s0+$0x8A00]  }
0xc8: {  	s25 =	simm.s32 $0x120;
	v1 =	vld [tilespmem:s0+$0x8A80]  }
0xc9: {  	s6 =	simm.s32 $0x60;
	v15 =	vld [tilespmem:s12+$0x80];
	v6 =	vadd.s32 s25, v3  }
0xca: {  	s26 =	simm.s32 $0xC0;
	v22 =	vld [tilespmem:s12+$0xFFFFFF00];
	v8 =	vadd.s32 s6, v3  }
0xcb: {  	v24 =	vld [tilespmem:s12+$0xFFFFFF80];
	v11 =	vadd.s32 s26, v3  }
0xcc: {  	v26 =	vld [tilespmem:s12+$0x0];
	v4 =	vadd.s32 $0x20, v2  }
0xcd: {  	v5 =	vadd.s32 $0x40, v1;
	v16 =	vld.idx.msk [tilespmem:v3+s10+$0x0], $0xffff  }
0xce: {  	v7 =	vadd.s32 s25, v4;
	v6 =	vld.idx.msk [tilespmem:v6+s10+$0x0], $0xffff  }
0xcf: {  	v10 =	vadd.s32 s6, v4;
	v8 =	vld.idx.msk [tilespmem:v8+s10+$0x0], $0xffff  }
0xd0: {  	v12 =	vadd.s32 s26, v4;
	v11 =	vld.idx.msk [tilespmem:v11+s10+$0x0], $0xffff  }
0xd1: {  	v9 =	vadd.s32 s25, v5;
	v17 =	vld.idx.msk [tilespmem:v4+s10+$0x0], $0xffff  }
0xd2: {  	s29 =	simm.s32 $0x2A0;
	v13 =	vadd.s32 s6, v5;
	v20 =	vld.idx.msk [tilespmem:v5+s10+$0x0], $0xffff  }
0xd3: {  	v18 =	vadd.s32 s29, v3;
	v7 =	vld.idx.msk [tilespmem:v7+s10+$0x0], $0xffff  }
0xd4: {  	v14 =	vadd.s32 s26, v5;
	v10 =	vld.idx.msk [tilespmem:v10+s10+$0x0], $0xffff  }
0xd5: {  	v19 =	vadd.s32 s29, v4;
	v12 =	vld.idx.msk [tilespmem:v12+s10+$0x0], $0xffff  }
0xd6: {  	s15 =	simm.s32 $0x1E0;
	v23 =	vadd.s32 s29, v5;
	v9 =	vld.idx.msk [tilespmem:v9+s10+$0x0], $0xffff  }
0xd7: {  	s31 =	simm.s32 $0x240;
	v21 =	vadd.s32 s15, v3;
	v13 =	vld.idx.msk [tilespmem:v13+s10+$0x0], $0xffff  }
0xd8: {  	v61 =	vadd.s32 s31, v4;
	v18 =	vld.idx.msk [tilespmem:v18+s10+$0x0], $0xffff  }
0xd9: {  	v28 =	vadd.s32 s31, v3;
	v14 =	vld.idx.msk [tilespmem:v14+s10+$0x0], $0xffff;
	v27 =	vadd.f32 v7, v6  }
0xda: {  	v25 =	vadd.s32 s15, v4;
	v19 =	vld.idx.msk [tilespmem:v19+s10+$0x0], $0xffff;
	v10 =	vadd.f32 v10, v8;
	v11 =	vadd.f32 v12, v11  }
0xdb: {  	v23 =	vld.idx.msk [tilespmem:v23+s10+$0x0], $0xffff;
	v6 =	vadd.s32 $0x180, v3;
	v12 =	vadd.f32 v17, v16;
	v9 =	vadd.f32 v9, v27  }
0xdc: {  	v7 =	vadd.s32 $0x1A0, v2;
	v8 =	vld.idx.msk [tilespmem:v21+s10+$0x0], $0xffff;
	v21 =	vadd.s32 s10, v6;
	v10 =	vadd.f32 v13, v10  }
0xdd: {  	s6 =	sadd.s32 $0x200, s12;
	v17 =	vld.idx.msk [tilespmem:v61+s10+$0x0], $0xffff;
	v29 =	vadd.s32 s10, v7;
	v12 =	vadd.f32 v20, v12;
	v13 =	vmul.f32 v9, v15  }
0xde: {  	v20 =	vld [tilespmem:s6+$0x80];
	v15 =	vadd.f32 v14, v11;
	v16 =	vmul.f32 v10, v24  }
0xdf: {  	v63 =	vadd.f32 v19, v18;
	v19 =	vadd.s32 s15, v5;
	v11 =	vld.idx.msk [tilespmem:v25+s10+$0x0], $0xffff;
	v22 =	vmul.f32 v12, v22;
	[tilespmem:s11+$0x80] =	vst v13  }
0xe0: {  	s16 =	simm.s32 $0x180;
	v14 =	vld.idx.msk [tilespmem:v28+s10+$0x0], $0xffff;
	v9 =	vadd.s32 $0x1C0, v1;
	v62 =	vmul.f32 v15, v26;
	[tilespmem:s11+$0xFFFFFF80] =	vst v16;
	v16 =	vadd.s32 s31, v5  }
0xe1: {  	s22 =	simm.s32 $0x300;
	v12 =	vadd.s32 s16, v6;
	v10 =	vadd.s32 s10, v9;
	v18 =	vld.idx.msk [tilespmem:v21+s10+$0x0], $0xffff;
	[tilespmem:s11+$0xFFFFFF00] =	vst v22  }
0xe2: {  	s0 =	simm.s32 $0x0;
	s15 =	smov.u32 s11;
	v13 =	vadd.s32 s16, v7;
	v15 =	vadd.s32 s16, v9;
	s16 =	simm.s32 $0x4;
	v21 =	vld.idx.msk [tilespmem:v29+s10+$0x0], $0xffff;
	v22 =	vadd.f32 v23, v63;
	[tilespmem:s11+$0x0] =	vst v62  }
.LBB2_10:
0xe3: {  	v24 =	vmov v12  }
0xe4: {  	s23 =	sadd.s32 $0x60, s22;
	s24 =	sadd.s32 $0xC0, s22;
	s25 =	sadd.s32 $0x120, s22;
	v23 =	vld.idx.msk [tilespmem:v19+s0+$0x0], $0xffff;
	v12 =	vadd.s32 s22, v6;
	v25 =	vmovc v13;
	v13 =	vadd.s32 s22, v7;
	v19 =	vmovc v15;
	v15 =	vadd.s32 s22, v9  }
0xe5: {  	s16 =	sadd.s32 $0x4, s16;
	v26 =	vadd.s32 s23, v3;
	v27 =	vadd.s32 s25, v3;
	v28 =	vld.idx.msk [tilespmem:v16+s0+$0x0], $0xffff;
	v20 =	vmul.f32 v22, v20  }
0xe6: {  	s15 =	sadd.s32 $0x200, s15;
	v22 =	vadd.s32 s23, v4;
	v29 =	vadd.s32 s24, v3;
	v30 =	vadd.s32 s25, v4;
	p0 =	slt.u32 s16, $0x3C;
	v31 =	vld.idx.msk [tilespmem:v10+s0+$0x0], $0xffff;
	v10 =	vmovc v19  }
0xe7: {  	v32 =	vadd.s32 s24, v4;
	v16 =	vadd.s32 s24, v5;
	v19 =	vadd.s32 s23, v5;
	v33 =	vld [tilespmem:s6+$0xFFFFFF00];
	[tilespmem:s15+$0x80] =	vst v20  }
0xe8: {  	v8 =	vadd.f32 v11, v8;
	v11 =	vadd.f32 v17, v14;
	v20 =	vadd.s32 s25, v5;
	v34 =	vld [tilespmem:s6+$0xFFFFFF80]  }
0xe9: {  	s0 =	simm.s32 $0x0;
	v14 =	vadd.f32 v21, v18;
	v17 =	vld [tilespmem:s6+$0x0]  }
0xea: {  	v21 =	vadd.f32 v23, v8;
	v18 =	vld.idx.msk [tilespmem:v27+s0+$0x0], $0xffff  }
0xeb: {  	v27 =	vadd.f32 v28, v11;
	v23 =	vld.idx.msk [tilespmem:v30+s0+$0x0], $0xffff  }
0xec: {  	v14 =	vadd.f32 v31, v14;
	v8 =	vld.idx.msk [tilespmem:v26+s0+$0x0], $0xffff  }
0xed: {  	v26 =	vld.idx.msk [tilespmem:v20+s0+$0x0], $0xffff;
	v20 =	vmul.f32 v21, v34  }
0xee: {  	v21 =	vmul.f32 v14, v33;
	v11 =	vld.idx.msk [tilespmem:v22+s0+$0x0], $0xffff;
	v17 =	vmul.f32 v27, v17  }
.Ltmp3:
0xef: {  	s6 =	sadd.s32 $0x200, s6;
	v14 =	vld.idx.msk [tilespmem:v29+s0+$0x0], $0xffff;
	[tilespmem:s15+$0xFFFFFF80] =	vst v20;
	(pc) =	sbr.rel @p0 .LBB2_10-.Ltmp3, $4  }
0xf0: {  	v20 =	vld [tilespmem:s6+$0x80];
	[tilespmem:s15+$0x0] =	vst v17  }
0xf1: {  	v22 =	vadd.f32 v23, v18;
	v17 =	vld.idx.msk [tilespmem:v32+s0+$0x0], $0xffff;
	[tilespmem:s15+$0xFFFFFF00] =	vst v21  }
0xf2: {  	v18 =	vld.idx.msk [tilespmem:v24+s0+$0x0], $0xffff  }
0xf3: {  	s22 =	sadd.s32 $0x180, s22;
	v22 =	vadd.f32 v26, v22;
	v21 =	vld.idx.msk [tilespmem:v25+s0+$0x0], $0xffff  }
0xf4: {  	_ =	sdelay $0x3  }
0xf5: {  	v4 =	vld.idx.msk [tilespmem:v19+s0+$0x0], $0xffff  }
0xf6: {  	v5 =	vld.idx.msk [tilespmem:v16+s0+$0x0], $0xffff  }
0xf7: {  	v6 =	vld.idx.msk [tilespmem:v10+s0+$0x0], $0xffff  }
0xf8: {  	v7 =	vld [tilespmem:s6+$0xFFFFFF80]  }
0xf9: {  	v8 =	vadd.f32 v11, v8;
	v9 =	vld [tilespmem:s6+$0x0]  }
0xfa: {  	v62 =	vld [tilespmem:s6+$0xFFFFFF00];
	v61 =	vadd.f32 v17, v14  }
0xfb: {  	v12 =	vadd.f32 v21, v18;
	v4 =	vadd.f32 v4, v8  }
0xfc: {  	v63 =	vmul.f32 v22, v20;
	v5 =	vadd.f32 v5, v61  }
0xfd: {  	s26 =	sadd.s32 $0x200, s15;
	v6 =	vadd.f32 v6, v12;
	v4 =	vmul.f32 v4, v7  }
0xfe: {  	[tilespmem:s26+$0x80] =	vst v63;
	v5 =	vmul.f32 v5, v9  }
0xff: {  	s29 =	simm.s32 $0x3;
	v6 =	vmul.f32 v6, v62;
	[tilespmem:s26+$0xFFFFFF80] =	vst v4  }
0x100: {  	s16 =	simm.s32 $0x1;
	vm0 =	veq.s32 v1, s29;
	[tilespmem:s26+$0x0] =	vst v5  }
0x101: {  	vm1 =	veq.s32 v3, s16;
	v4 =	vsel vm0, $0x3F800000, v0;
	[tilespmem:s26+$0xFFFFFF00] =	vst v6  }
0x102: {  	v5 =	vsel vm1, $0x3F800000, v0;
	vm0 =	veq.s32 v2, s16;
	[tilespmem:s13+$0x0] =	vst v4  }
0x103: {  	vm1 =	veq.s32 v3, s29;
	[tilespmem:s13+$0xFFFFDF00] =	vst v5;
	v4 =	vsel vm0, $0x3F800000, v0  }
0x104: {  	s31 =	simm.s32 $0x2;
	vm0 =	veq.s32 v1, s16;
	v5 =	vsel vm1, $0x3F800000, v0;
	[tilespmem:s13+$0xFFFFEF00] =	vst v4  }
0x105: {  	v4 =	vsel vm0, $0x3F800000, v0;
	vm0 =	veq.s32 v3, s31;
	[tilespmem:s13+$0xFFFFE000] =	vst v5  }
0x106: {  	[tilespmem:s13+$0xFFFFFF00] =	vst v4;
	v4 =	vsel vm0, $0x3F800000, v0;
	vm0 =	veq.s32 v2, s31  }
0x107: {  	[tilespmem:s13+$0xFFFFDF80] =	vst v4;
	v4 =	vsel vm0, $0x3F800000, v0;
	vm0 =	veq.s32 v1, s31  }
0x108: {  	[tilespmem:s13+$0xFFFFEF80] =	vst v4;
	v4 =	vsel vm0, $0x3F800000, v0;
	vm0 =	veq.s32 v2, s29  }
0x109: {  	[tilespmem:s13+$0xFFFFFF80] =	vst v4;
	v4 =	vsel vm0, $0x3F800000, v0;
	vm0 =	veq.s32 v3, s0  }
0x10a: {  	vm2 =	veq.s32 v1, s0;
	s22 =	simm.s32 $0x7;
	s16 =	simm.s32 $0x5;
	vm1 =	veq.s32 v2, s0;
	v5 =	vsel vm0, $0x3F800000, v0;
	[tilespmem:s13+$0xFFFFF000] =	vst v4  }
0x10b: {  	s15 =	simm.s32 $0x8;
	s6 =	smov.u32 s13;
	s0 =	simm.s32 $0x4;
	vm0 =	veq.s32 v3, s16;
	v4 =	vsel vm2, $0x3F800000, v0;
	[tilespmem:s13+$0xFFFFDE80] =	vst v5;
	v5 =	vsel vm1, $0x3F800000, v0  }
.LBB2_12:
0x10c: {  	p0 =	slt.u32 s15, $0x1C;
	vm1 =	veq.s32 v3, s22;
	vm2 =	veq.s32 v2, s22;
	vm3 =	veq.s32 v1, s22;
	[tilespmem:s6+$0xFFFFEE80] =	vst v5  }
0x10d: {  	v5 =	vsel vm1, $0x3F800000, v0;
	v6 =	vsel vm2, $0x3F800000, v0;
	v7 =	vsel vm3, $0x3F800000, v0;
	[tilespmem:s6+$0xFFFFFE80] =	vst v4;
	s6 =	sadd.s32 $0x200, s6  }
0x10e: {  	v4 =	vsel vm0, $0x3F800000, v0;
	vm0 =	veq.s32 v2, s16;
	[tilespmem:s6+$0x0] =	vst v7  }
0x10f: {  	[tilespmem:s6+$0xFFFFDF00] =	vst v4;
	v4 =	vsel vm0, $0x3F800000, v0;
	vm0 =	veq.s32 v1, s16;
	s16 =	sadd.s32 $0x2, s0  }
0x110: {  	[tilespmem:s6+$0xFFFFEF00] =	vst v4;
	v4 =	vsel vm0, $0x3F800000, v0;
	vm0 =	veq.s32 v3, s16  }
0x111: {  	[tilespmem:s6+$0xFFFFFF00] =	vst v4;
	v4 =	vsel vm0, $0x3F800000, v0;
	vm0 =	veq.s32 v2, s16  }
0x112: {  	[tilespmem:s6+$0xFFFFDF80] =	vst v4;
	v4 =	vsel vm0, $0x3F800000, v0;
	vm0 =	veq.s32 v1, s16  }
.Ltmp4:
0x113: {  	[tilespmem:s6+$0xFFFFEF80] =	vst v4;
	v4 =	vsel vm0, $0x3F800000, v0;
	(pc) =	sbr.rel @p0 .LBB2_12-.Ltmp4, $4  }
0x114: {  	[tilespmem:s6+$0xFFFFFF80] =	vst v4  }
0x115: {  	vm0 =	veq.s32 v3, s0;
	[tilespmem:s6+$0xFFFFE000] =	vst v5  }
0x116: {  	vm1 =	veq.s32 v2, s0;
	vm2 =	veq.s32 v1, s0;
	s16 =	sadd.s32 $0x1, s15;
	s0 =	smov.u32 s15;
	v4 =	vsel vm0, $0x3F800000, v0;
	[tilespmem:s6+$0xFFFFF000] =	vst v6  }
0x117: {  	s15 =	sadd.s32 $0x4, s15;
	vm0 =	veq.s32 v3, s16;
	s22 =	sadd.s32 $0x3, s0;
	v5 =	vsel vm1, $0x3F800000, v0;
	[tilespmem:s6+$0xFFFFDE80] =	vst v4;
	v4 =	vsel vm2, $0x3F800000, v0  }
0x118: {  	[tilespmem:s6+$0xFFFFEE80] =	vst v5  }
0x119: {  	vm1 =	veq.s32 v1, s22;
	[tilespmem:s6+$0xFFFFFE80] =	vst v4;
	s31 =	sadd.s32 $0x200, s6;
	v56 =	vsel vm0, $0x3F800000, v0  }
0x11a: {  	vm6 =	veq.s32 v2, s16;
	v55 =	vsel vm1, $0x3F800000, v0;
	[tilespmem:s31+$0xFFFFDF00] =	vst v56  }
0x11b: {  	vm7 =	veq.s32 v1, s16;
	v57 =	vsel vm6, $0x3F800000, v0;
	[tilespmem:s31+$0x0] =	vst v55  }
0x11c: {  	vm11 =	veq.s32 v3, s22;
	v58 =	vsel vm7, $0x3F800000, v0;
	[tilespmem:s31+$0xFFFFEF00] =	vst v57  }
0x11d: {  	vm12 =	veq.s32 v2, s22;
	v62 =	vsel vm11, $0x3F800000, v0;
	[tilespmem:s31+$0xFFFFFF00] =	vst v58  }
0x11e: {  	s15 =	sadd.s32 $0x2, s0;
	vm13 =	veq.s32 v3, s0;
	v63 =	vsel vm12, $0x3F800000, v0;
	[tilespmem:s31+$0xFFFFE000] =	vst v62  }
0x11f: {  	vm14 =	veq.s32 v2, s0;
	s5 =	sadd.s32 $0x1, s5;
	vm8 =	veq.s32 v3, s15;
	v3 =	vsel vm13, $0x3F800000, v0;
	[tilespmem:s31+$0xFFFFF000] =	vst v63  }
0x120: {  	vm15 =	veq.s32 v1, s0;
	vm10 =	veq.s32 v1, s15;
	v1 =	vsel vm14, $0x3F800000, v0;
	p0 =	sne.s32 s5, $0x8;
	[tilespmem:s31+$0xFFFFDE80] =	vst v3  }
.Ltmp5:
0x121: {  	vm9 =	veq.s32 v2, s15;
	v2 =	vsel vm15, $0x3F800000, v0;
	[tilespmem:s31+$0xFFFFEE80] =	vst v1;
	(pc) =	sbr.rel @p0 .LBB2_9-.Ltmp5, $4  }
0x122: {  	v59 =	vsel vm8, $0x3F800000, v0;
	[tilespmem:s31+$0xFFFFFE80] =	vst v2  }
0x123: {  	v60 =	vsel vm9, $0x3F800000, v0;
	[tilespmem:s31+$0xFFFFDF80] =	vst v59  }
0x124: {  	v61 =	vsel vm10, $0x3F800000, v0;
	[tilespmem:s31+$0xFFFFEF80] =	vst v60  }
0x125: {  	s11 =	sadd.s32 $0x10, s11;
	s12 =	sadd.s32 $0x10, s12;
	s13 =	sadd.s32 $0x10, s13;
	[tilespmem:s31+$0xFFFFFF80] =	vst v61  }
0x126: {  	s17 =	sadd.s32 $0x1, s17  }
0x127: {  	s0 =	smul.u32 $0x28000, s19;
	p0 =	sne.s32 s17, $0x19  }
.Ltmp6:
0x128: {  	_ = 	snop;
	(pc) =	sbr.rel @p0 .LBB2_2-.Ltmp6, $4  }
0x129: {  	s0 =	sor.u32 s18, s0  }
0x12a: {  	s0 =	sshrl.u32 s0, $0x3  }
0x12b: {  	s5 =	simm.s32 $0xAB00;
	s0 =	sadd.s32 s7, s0  }
0x12c: {  	[hbm4b:s0+s20] =	stream.strided.scatter [tilespmem:s5], [sflag:$0x4], $0x5000, s21, s20, $0x38;
	[tilespmem:$0xFB00] =	vst v63  }
0x12d: {  	s0 =	simm.s32 $0x3  }
0x12e: {  	_ =	swait.ge [sflag:s0], $0x5000  }
0x12f: {  	[sflag:s0] =	ssyncset.done $0x0  }
0x130: {  	s5 =	simm.s32 $0x4;
	[sflag:s0] =	ssyncadd.s32 $0xFFFFB000  }
0x131: {  	_ =	swait.ge [sflag:s5], $0x5000  }
0x132: {  	s6 =	rddreg [dreg:$0xc]  }
0x133: {  	s31 =	rddreg [dreg:$0xb];
	s6 =	sadd.s32 $0x1, s6  }
0x134: {  	p0 =	sne.s32 s6, s31  }
.Ltmp7:
0x135: {  	_ = 	snop;
	(pc) =	sbr.rel @p0 .LBB2_1-.Ltmp7, $3  }
0x136: {  	_ =	sdelay $0x1  }
0x137: {  	[sflag:s5] =	ssyncset.done $0x0  }
0x138: {  	[sflag:s5] =	ssyncadd.s32 $0xFFFFB000  }
0x139: {  	_ =	sfence.sel $0x180000  }
0x13a: {  	[bflag:$0x0] =	sbarrier.arrive $0xFFFF  }
0x13b: {  	_ =	strace $0x90000047  }
0x13c: {  	s0 =	stileid.u32;
	[bflag:$0x2] =	sbarrier.arrive $0xFFFF  }
0x13d: {  	p0 =	sne.s32 s0, $0x0;
	s0 =	rddreg [dreg:$0x6]  }
0x13e: {  	s0 =	sadd.s32 @!p0 $0x100000, s0  }
0x13f: {  	[sflag:s0] =	ssyncadd.tile.s32 @!p0 $0x1;
	_ =	shalt  }
.Lfunc_end2:
_tile_overlayer_lowered:
.L_overlay_start_2:
0x140: {  	(tag) =	ssettag $0x2  }
0x141: {  	s0 =	rddreg [dreg:$0x0];
	s2 =	stileid.u32  }
0x142: {  	s1 =	rddreg [dreg:$0x1];
	p0 =	sne.s32 s2, $0x0  }
0x143: {  	s3 =	rddreg [dreg:$0x2];
	[bflag:$0x3] =	sbarrier.arrive $0xFFFF;
	s2 =	simm.s32 @!p0 $0x1C05  }
0x144: {  	[timem:s3], [sflag:s2] =	dma.local @!p0 [hbm:s0], s1  }
0x145: {  	s0 =	simm.s32 @!p0 $0x5  }
0x146: {  	_ =	swait.ge @!p0 [sflag:s0], s1  }
0x147: {  	s1 =	ssub.s32 @!p0 $0x0, s1;
	[sflag:s0] =	ssyncset.done @!p0 $0x0  }
0x148: {  	[sflag:s0] =	ssyncadd.s32 @!p0 s1  }
0x149: {  	[bflag:$0x3] =	sbarrier.arrive $0xFFFF  }
0x14a: {  	_ =	shalt  }

</sc_bundles>
